<compile_context>
chip_gen: v7x
topology: tpu7x:2x2x1
jax: 0.10.2.dev20260603
libtpu: 0.0.44.dev20260713+nightly
codegen_flags: <defaults>
</compile_context>

<pallas_src>
import functools

import jax
import jax.numpy as jnp
from jax import lax
from jax.experimental import pallas as pl
from jax.experimental.pallas import tpu as pltpu
from jax.experimental.pallas import tpu_sc as plsc


def _make_topk(B, M, U, C, NUC=2):
    UC = U // NUC

    def body(q_ref, k_ref, o_ref, mx_ref, mi_ref):
        u = pl.program_id(1)
        kk = k_ref[0]
        kn = kk / (jnp.sqrt(jnp.sum(kk * kk, axis=1, keepdims=True)) + 1e-8)
        q = q_ref[0]
        qn = q / (jnp.sqrt(jnp.sum(q * q, axis=1, keepdims=True)) + 1e-8)
        sim = lax.dot_general(
            qn.astype(jnp.bfloat16), kn.astype(jnp.bfloat16),
            (((1,), (1,)), ((), ())),
            preferred_element_type=jnp.float32)
        mv = jnp.max(sim, axis=1)
        mi = jnp.argmax(sim, axis=1).astype(jnp.int32) + u * UC

        @pl.when(u == 0)
        def _():
            mx_ref[0, :] = mv
            mi_ref[0, :] = mi

        @pl.when(u > 0)
        def _():
            take = mv > mx_ref[0, :]
            mi_ref[0, :] = jnp.where(take, mi, mi_ref[0, :])
            mx_ref[0, :] = jnp.where(take, mv, mx_ref[0, :])

        @pl.when(u == NUC - 1)
        def _():
            o_ref[0, 0] = mi_ref[0, :] + pl.program_id(0) * U

    return pl.pallas_call(
        body,
        grid=(B, NUC),
        in_specs=[
            pl.BlockSpec((1, M, C), lambda b, u: (b, 0, 0)),
            pl.BlockSpec((1, UC, C), lambda b, u: (b, u, 0)),
        ],
        out_specs=pl.BlockSpec((1, 1, M), lambda b, u: (b, 0, 0)),
        out_shape=jax.ShapeDtypeStruct((B, 1, M), jnp.int32),
        scratch_shapes=[pltpu.VMEM((1, M), jnp.float32),
                        pltpu.VMEM((1, M), jnp.int32)],
    )


def _gather_blend(k2, q2, idxflat):
    R, C = q2.shape
    info = plsc.get_sparse_core_info()
    NC, NS = info.num_cores, info.num_subcores
    NW = NC * NS
    rpw = R // NW
    mesh = plsc.VectorSubcoreMesh(core_axis_name="c", subcore_axis_name="s")

    @functools.partial(
        pl.kernel, mesh=mesh,
        out_type=jax.ShapeDtypeStruct((R, C), jnp.float32),
        scratch_types=[
            pltpu.VMEM((rpw,), jnp.int32),
            pltpu.VMEM((rpw, C), jnp.float32),
            pltpu.VMEM((rpw, C), jnp.float32),
            pltpu.SemaphoreType.DMA,
        ],
    )
    def sc_fn(k_hbm, q_hbm, idx_hbm, out_hbm, idx_v, rows_v, q_v, sem):
        wid = lax.axis_index("s") * NC + lax.axis_index("c")
        base = wid * rpw
        pltpu.sync_copy(idx_hbm.at[pl.ds(base, rpw)], idx_v)
        cp = pltpu.async_copy(k_hbm.at[idx_v], rows_v, sem)
        pltpu.sync_copy(q_hbm.at[pl.ds(base, rpw)], q_v)
        cp.wait()

        def row(r, carry):
            for c in range(0, C, 16):
                s = pl.ds(c, 16)
                rows_v[r, s] = (rows_v[r, s] + q_v[r, s]) * 0.5
            return carry

        lax.fori_loop(0, rpw, row, 0)
        pltpu.sync_copy(rows_v, out_hbm.at[pl.ds(base, rpw)])

    return sc_fn(k2, q2, idxflat)


def kernel(input):
    x = input
    B, C, H, W = x.shape
    h0, h1 = H // 4, 3 * H // 4
    w0, w1 = W // 4, 3 * W // 4
    M = (h1 - h0) * (w1 - w0)
    U = H * W - M

    q_cm = x[:, :, h0:h1, w0:w1].reshape(B, C, M)
    top = x[:, :, :h0, :].reshape(B, C, -1)
    mid = jnp.concatenate(
        [x[:, :, h0:h1, :w0], x[:, :, h0:h1, w1:]], axis=3).reshape(B, C, -1)
    bot = x[:, :, h1:, :].reshape(B, C, -1)
    k_cm = jnp.concatenate([top, mid, bot], axis=2)

    q = q_cm.transpose(0, 2, 1)
    k = k_cm.transpose(0, 2, 1)

    idx = _make_topk(B, M, U, C)(q, k)
    blended = _gather_blend(
        k.reshape(B * U, C), q.reshape(B * M, C), idx.reshape(B * M))

    patch = blended.reshape(B, h1 - h0, w1 - w0, C).transpose(0, 3, 1, 2)
    return x.at[:, :, h0:h1, w0:w1].set(patch)

# --- scband reference (transcript-rebuilt; emitter-appended) ---
"""Pipeline reference for scband-csa-model-23639499997806 (READ-ONLY COPY).

The authoritative reference and input builder live on the scoring server;
editing this copy changes nothing except your own understanding.
"""

import jax, jax.numpy as jnp
import numpy as np

SHIFT_SZ = 1
STRIDE = 1
TRIPLE_WEIGHT = 1.0


def _make_mask(h, w):
    # fixed center hole mask (standard inpainting setup); True = masked point
    m = np.zeros((h, w), dtype=bool)
    m[h // 4: 3 * h // 4, w // 4: 3 * w // 4] = True
    return m


def setup_inputs(seed: int = 0) -> dict:
    key = jax.random.key(seed)
    x = jax.random.normal(key, (2, 512, 64, 64), dtype=jnp.float32)
    return {"input": x}


def reference(input) -> jnp.ndarray:
    # Coherent Semantic Attention with shift_sz=1, stride=1: each masked
    # feature point retrieves its most similar (top-1, cosine similarity)
    # non-masked feature point (kNN retrieval) and is replaced by a blend of
    # the retrieved patch and the original, weighted by triple_weight.
    B, C, H, W = input.shape
    mask_np = _make_mask(H, W).reshape(-1)
    midx = jnp.asarray(np.nonzero(mask_np)[0])       # masked point indices [M]
    uidx = jnp.asarray(np.nonzero(~mask_np)[0])      # non-masked point indices [U]
    M = midx.shape[0]

    feats = input.reshape(B, C, H * W).transpose(0, 2, 1)  # [B, HW, C]
    q = jnp.take(feats, midx, axis=1)                      # [B, M, C] masked queries
    k = jnp.take(feats, uidx, axis=1)                      # [B, U, C] unmasked keys

    # cosine similarity: normalize keys (as in contextual/CSA attention)
    k_norm = k / (jnp.linalg.norm(k, axis=-1, keepdims=True) + 1e-8)
    q_norm = q / (jnp.linalg.norm(q, axis=-1, keepdims=True) + 1e-8)
    sim = jnp.einsum('bmc,buc->bmu', q_norm, k_norm)       # [B, M, U]

    # top-1 retrieval (kNN with k=1)
    _, top1 = jax.lax.top_k(sim, 1)                        # [B, M, 1]
    idx = jnp.broadcast_to(top1, (B, M, C))
    retrieved = jnp.take_along_axis(k, idx, axis=1)        # [B, M, C]

    # coherent blend of retrieved patch and original (triple_weight)
    blended = (retrieved + TRIPLE_WEIGHT * q) / (1.0 + TRIPLE_WEIGHT)

    out_flat = feats.at[:, midx, :].set(blended)
    out = out_flat.transpose(0, 2, 1).reshape(B, C, H, W)
    return out

if __name__ == "__main__":
    import jax
    _d = setup_inputs()
    print(jax.jit(kernel)(*tuple(_d.values())))

</pallas_src>

<mosaic_0001>
#map = affine_map<(d0, d1) -> (0, 0)>
#map1 = affine_map<(d0, d1) -> (0)>
module attributes {stable_mosaic.version = 14 : i64} {
  func.func @sc_fn(%arg0: i32, %arg1: i32, %arg2: memref<6144x512xf32, #tpu.memory_space<hbm>>, %arg3: memref<2048x512xf32, #tpu.memory_space<hbm>>, %arg4: memref<2048xi32, #tpu.memory_space<hbm>>, %arg5: memref<2048x512xf32, #tpu.memory_space<hbm>>, %arg6: memref<64xi32, #tpu.memory_space<vmem>>, %arg7: memref<64x512xf32, #tpu.memory_space<vmem>>, %arg8: memref<64x512xf32, #tpu.memory_space<vmem>>, %arg9: memref<!tpu.dma_semaphore, #tpu.memory_space<semaphore_mem>>) attributes {dimension_semantics = [#tpu.dimension_semantics<core_parallel>, #tpu.dimension_semantics<subcore_parallel>], iteration_bounds = array<i64: 2, 16>, scalar_prefetch = 0 : i64, scratch_operands = 4 : i64, tpu.core_type = #tpu.core_type<sc_vector_subcore>, window_params = [{transform_indices = #map}, {transform_indices = #map}, {transform_indices = #map1}, {transform_indices = #map}]} {
    %mul3A = arith.constant 2 : i32
    %mul3A_0 = arith.muli %arg1, %mul3A : i32
    %add3A = arith.addi %mul3A_0, %arg0 : i32
    %mul3A_1 = arith.constant 64 : i32
    %mul3A_2 = arith.muli %add3A, %mul3A_1 : i32
    "tpu.region"() ({
      %run_scoped3A = tpu.sem_alloc : memref<!tpu.dma_semaphore, #tpu.memory_space<semaphore_mem>>
      %dma_start3A_12 = tpu.memref_slice %arg4[%mul3A_2] : memref<2048xi32, #tpu.memory_space<hbm>> -> memref<64xi32, #tpu.memory_space<hbm>>
      %dma_start3A_13 = tpu.memref_slice %arg4[%mul3A_2] : memref<2048xi32, #tpu.memory_space<hbm>> -> memref<64xi32, #tpu.memory_space<hbm>>
      tpu.enqueue_dma source(%dma_start3A_13 : memref<64xi32, #tpu.memory_space<hbm>>) target(%arg6 : memref<64xi32, #tpu.memory_space<vmem>>) target_semaphore(%run_scoped3A : memref<!tpu.dma_semaphore, #tpu.memory_space<semaphore_mem>>)
      %dma_wait3A_14 = tpu.memref_slice %arg4[%mul3A_2] : memref<2048xi32, #tpu.memory_space<hbm>> -> memref<64xi32, #tpu.memory_space<hbm>>
      %dma_wait3A_15 = tpu.memref_slice %arg4[%mul3A_2] : memref<2048xi32, #tpu.memory_space<hbm>> -> memref<64xi32, #tpu.memory_space<hbm>>
      tpu.wait_dma2 semaphore(%run_scoped3A : memref<!tpu.dma_semaphore, #tpu.memory_space<semaphore_mem>>) src(%dma_wait3A_15 : memref<64xi32, #tpu.memory_space<hbm>>) dst(%arg6 : memref<64xi32, #tpu.memory_space<vmem>>)
      tpu.yield
    }) : () -> ()
    %dma_start3A = arith.constant 0 : i32
    %dma_start3A_3 = arith.constant 0 : i32
    %dma_start3A_4 = tpu.memref_slice %arg2[%dma_start3A, %dma_start3A_3] : memref<6144x512xf32, #tpu.memory_space<hbm>> -> memref<6144x512xf32, #tpu.memory_space<hbm>>
    tpu.enqueue_indirect_dma source(%dma_start3A_4 : memref<6144x512xf32, #tpu.memory_space<hbm>>) target(%arg7 : memref<64x512xf32, #tpu.memory_space<vmem>>) offsets(%arg6 : memref<64xi32, #tpu.memory_space<vmem>>) semaphore(%arg9 : memref<!tpu.dma_semaphore, #tpu.memory_space<semaphore_mem>>)
    "tpu.region"() ({
      %run_scoped3A = tpu.sem_alloc : memref<!tpu.dma_semaphore, #tpu.memory_space<semaphore_mem>>
      %dma_start3A_12 = arith.constant 0 : i32
      %dma_start3A_13 = tpu.memref_slice %arg3[%mul3A_2, %dma_start3A_12] : memref<2048x512xf32, #tpu.memory_space<hbm>> -> memref<64x512xf32, #tpu.memory_space<hbm>>
      %dma_start3A_14 = arith.constant 0 : i32
      %dma_start3A_15 = tpu.memref_slice %arg3[%mul3A_2, %dma_start3A_14] : memref<2048x512xf32, #tpu.memory_space<hbm>> -> memref<64x512xf32, #tpu.memory_space<hbm>>
      tpu.enqueue_dma source(%dma_start3A_15 : memref<64x512xf32, #tpu.memory_space<hbm>>) target(%arg8 : memref<64x512xf32, #tpu.memory_space<vmem>>) target_semaphore(%run_scoped3A : memref<!tpu.dma_semaphore, #tpu.memory_space<semaphore_mem>>)
      %dma_wait3A_16 = arith.constant 0 : i32
      %dma_wait3A_17 = tpu.memref_slice %arg3[%mul3A_2, %dma_wait3A_16] : memref<2048x512xf32, #tpu.memory_space<hbm>> -> memref<64x512xf32, #tpu.memory_space<hbm>>
      %dma_wait3A_18 = arith.constant 0 : i32
      %dma_wait3A_19 = tpu.memref_slice %arg3[%mul3A_2, %dma_wait3A_18] : memref<2048x512xf32, #tpu.memory_space<hbm>> -> memref<64x512xf32, #tpu.memory_space<hbm>>
      tpu.wait_dma2 semaphore(%run_scoped3A : memref<!tpu.dma_semaphore, #tpu.memory_space<semaphore_mem>>) src(%dma_wait3A_19 : memref<64x512xf32, #tpu.memory_space<hbm>>) dst(%arg8 : memref<64x512xf32, #tpu.memory_space<vmem>>)
      tpu.yield
    }) : () -> ()
    %dma_wait3A = arith.constant 0 : i32
    %dma_wait3A_5 = arith.constant 0 : i32
    %dma_wait3A_6 = tpu.memref_slice %arg2[%dma_wait3A, %dma_wait3A_5] : memref<6144x512xf32, #tpu.memory_space<hbm>> -> memref<6144x512xf32, #tpu.memory_space<hbm>>
    tpu.wait_indirect_dma semaphore(%arg9 : memref<!tpu.dma_semaphore, #tpu.memory_space<semaphore_mem>>) src(%dma_wait3A_6 : memref<6144x512xf32, #tpu.memory_space<hbm>>) dst(%arg7 : memref<64x512xf32, #tpu.memory_space<vmem>>)
    %scan3A = arith.constant 0 : i32
    %scan3A_7 = arith.constant 0 : i32
    %scan3A_8 = arith.constant 64 : i32
    %scan3A_9 = arith.addi %scan3A_7, %scan3A_8 : i32
    %scan3A_10 = arith.constant 1 : i32
    scf.for %scan3A_12 = %scan3A_7 to %scan3A_9 step %scan3A_10  : i32 {
      %get3A = arith.index_cast %scan3A_12 : i32 to index
      %get3A_13 = arith.constant 0 : index
      %get3A_14 = tpu.vector_load %arg7[%get3A, %get3A_13] {strides = array<i32>} : memref<64x512xf32, #tpu.memory_space<vmem>>, vector<1x16xf32>,
      %get3A_15 = vector.shape_cast %get3A_14 : vector<1x16xf32> to vector<16xf32>
      %get3A_16 = arith.index_cast %scan3A_12 : i32 to index
      %get3A_17 = arith.constant 0 : index
      %get3A_18 = tpu.vector_load %arg8[%get3A_16, %get3A_17] {strides = array<i32>} : memref<64x512xf32, #tpu.memory_space<vmem>>, vector<1x16xf32>,
      %get3A_19 = vector.shape_cast %get3A_18 : vector<1x16xf32> to vector<16xf32>
      %add3A_20 = arith.addf %get3A_15, %get3A_19 : vector<16xf32>
      %mul3A_21 = arith.constant 5.000000e-01 : f32
      %mul3A_22 = vector.broadcast %mul3A_21 : f32 to vector<16xf32>
      %mul3A_23 = arith.mulf %add3A_20, %mul3A_22 : vector<16xf32>
      %swap3A = arith.index_cast %scan3A_12 : i32 to index
      %swap3A_24 = arith.constant 0 : index
      %swap3A_25 = tpu.vector_load %arg7[%swap3A, %swap3A_24] {strides = array<i32>} : memref<64x512xf32, #tpu.memory_space<vmem>>, vector<1x16xf32>,
      %swap3A_26 = vector.shape_cast %swap3A_25 : vector<1x16xf32> to vector<16xf32>
      %swap3A_27 = vector.shape_cast %mul3A_23 : vector<16xf32> to vector<1x16xf32>
      tpu.vector_store %arg7[%swap3A, %swap3A_24], %swap3A_27 {strides = array<i32>} : memref<64x512xf32, #tpu.memory_space<vmem>>, vector<1x16xf32>,
      %get3A_28 = arith.index_cast %scan3A_12 : i32 to index
      %get3A_29 = arith.constant 16 : index
      %get3A_30 = tpu.vector_load %arg7[%get3A_28, %get3A_29] {strides = array<i32>} : memref<64x512xf32, #tpu.memory_space<vmem>>, vector<1x16xf32>,
      %get3A_31 = vector.shape_cast %get3A_30 : vector<1x16xf32> to vector<16xf32>
      %get3A_32 = arith.index_cast %scan3A_12 : i32 to index
      %get3A_33 = arith.constant 16 : index
      %get3A_34 = tpu.vector_load %arg8[%get3A_32, %get3A_33] {strides = array<i32>} : memref<64x512xf32, #tpu.memory_space<vmem>>, vector<1x16xf32>,
      %get3A_35 = vector.shape_cast %get3A_34 : vector<1x16xf32> to vector<16xf32>
      %add3A_36 = arith.addf %get3A_31, %get3A_35 : vector<16xf32>
      %mul3A_37 = arith.constant 5.000000e-01 : f32
      %mul3A_38 = vector.broadcast %mul3A_37 : f32 to vector<16xf32>
      %mul3A_39 = arith.mulf %add3A_36, %mul3A_38 : vector<16xf32>
      %swap3A_40 = arith.index_cast %scan3A_12 : i32 to index
      %swap3A_41 = arith.constant 16 : index
      %swap3A_42 = tpu.vector_load %arg7[%swap3A_40, %swap3A_41] {strides = array<i32>} : memref<64x512xf32, #tpu.memory_space<vmem>>, vector<1x16xf32>,
      %swap3A_43 = vector.shape_cast %swap3A_42 : vector<1x16xf32> to vector<16xf32>
      %swap3A_44 = vector.shape_cast %mul3A_39 : vector<16xf32> to vector<1x16xf32>
      tpu.vector_store %arg7[%swap3A_40, %swap3A_41], %swap3A_44 {strides = array<i32>} : memref<64x512xf32, #tpu.memory_space<vmem>>, vector<1x16xf32>,
      %get3A_45 = arith.index_cast %scan3A_12 : i32 to index
      %get3A_46 = arith.constant 32 : index
      %get3A_47 = tpu.vector_load %arg7[%get3A_45, %get3A_46] {strides = array<i32>} : memref<64x512xf32, #tpu.memory_space<vmem>>, vector<1x16xf32>,
      %get3A_48 = vector.shape_cast %get3A_47 : vector<1x16xf32> to vector<16xf32>
      %get3A_49 = arith.index_cast %scan3A_12 : i32 to index
      %get3A_50 = arith.constant 32 : index
      %get3A_51 = tpu.vector_load %arg8[%get3A_49, %get3A_50] {strides = array<i32>} : memref<64x512xf32, #tpu.memory_space<vmem>>, vector<1x16xf32>,
      %get3A_52 = vector.shape_cast %get3A_51 : vector<1x16xf32> to vector<16xf32>
      %add3A_53 = arith.addf %get3A_48, %get3A_52 : vector<16xf32>
      %mul3A_54 = arith.constant 5.000000e-01 : f32
      %mul3A_55 = vector.broadcast %mul3A_54 : f32 to vector<16xf32>
      %mul3A_56 = arith.mulf %add3A_53, %mul3A_55 : vector<16xf32>
      %swap3A_57 = arith.index_cast %scan3A_12 : i32 to index
      %swap3A_58 = arith.constant 32 : index
      %swap3A_59 = tpu.vector_load %arg7[%swap3A_57, %swap3A_58] {strides = array<i32>} : memref<64x512xf32, #tpu.memory_space<vmem>>, vector<1x16xf32>,
      %swap3A_60 = vector.shape_cast %swap3A_59 : vector<1x16xf32> to vector<16xf32>
      %swap3A_61 = vector.shape_cast %mul3A_56 : vector<16xf32> to vector<1x16xf32>
      tpu.vector_store %arg7[%swap3A_57, %swap3A_58], %swap3A_61 {strides = array<i32>} : memref<64x512xf32, #tpu.memory_space<vmem>>, vector<1x16xf32>,
      %get3A_62 = arith.index_cast %scan3A_12 : i32 to index
      %get3A_63 = arith.constant 48 : index
      %get3A_64 = tpu.vector_load %arg7[%get3A_62, %get3A_63] {strides = array<i32>} : memref<64x512xf32, #tpu.memory_space<vmem>>, vector<1x16xf32>,
      %get3A_65 = vector.shape_cast %get3A_64 : vector<1x16xf32> to vector<16xf32>
      %get3A_66 = arith.index_cast %scan3A_12 : i32 to index
      %get3A_67 = arith.constant 48 : index
      %get3A_68 = tpu.vector_load %arg8[%get3A_66, %get3A_67] {strides = array<i32>} : memref<64x512xf32, #tpu.memory_space<vmem>>, vector<1x16xf32>,
      %get3A_69 = vector.shape_cast %get3A_68 : vector<1x16xf32> to vector<16xf32>
      %add3A_70 = arith.addf %get3A_65, %get3A_69 : vector<16xf32>
      %mul3A_71 = arith.constant 5.000000e-01 : f32
      %mul3A_72 = vector.broadcast %mul3A_71 : f32 to vector<16xf32>
      %mul3A_73 = arith.mulf %add3A_70, %mul3A_72 : vector<16xf32>
      %swap3A_74 = arith.index_cast %scan3A_12 : i32 to index
      %swap3A_75 = arith.constant 48 : index
      %swap3A_76 = tpu.vector_load %arg7[%swap3A_74, %swap3A_75] {strides = array<i32>} : memref<64x512xf32, #tpu.memory_space<vmem>>, vector<1x16xf32>,
      %swap3A_77 = vector.shape_cast %swap3A_76 : vector<1x16xf32> to vector<16xf32>
      %swap3A_78 = vector.shape_cast %mul3A_73 : vector<16xf32> to vector<1x16xf32>
      tpu.vector_store %arg7[%swap3A_74, %swap3A_75], %swap3A_78 {strides = array<i32>} : memref<64x512xf32, #tpu.memory_space<vmem>>, vector<1x16xf32>,
      %get3A_79 = arith.index_cast %scan3A_12 : i32 to index
      %get3A_80 = arith.constant 64 : index
      %get3A_81 = tpu.vector_load %arg7[%get3A_79, %get3A_80] {strides = array<i32>} : memref<64x512xf32, #tpu.memory_space<vmem>>, vector<1x16xf32>,
      %get3A_82 = vector.shape_cast %get3A_81 : vector<1x16xf32> to vector<16xf32>
      %get3A_83 = arith.index_cast %scan3A_12 : i32 to index
      %get3A_84 = arith.constant 64 : index
      %get3A_85 = tpu.vector_load %arg8[%get3A_83, %get3A_84] {strides = array<i32>} : memref<64x512xf32, #tpu.memory_space<vmem>>, vector<1x16xf32>,
      %get3A_86 = vector.shape_cast %get3A_85 : vector<1x16xf32> to vector<16xf32>
      %add3A_87 = arith.addf %get3A_82, %get3A_86 : vector<16xf32>
      %mul3A_88 = arith.constant 5.000000e-01 : f32
      %mul3A_89 = vector.broadcast %mul3A_88 : f32 to vector<16xf32>
      %mul3A_90 = arith.mulf %add3A_87, %mul3A_89 : vector<16xf32>
      %swap3A_91 = arith.index_cast %scan3A_12 : i32 to index
      %swap3A_92 = arith.constant 64 : index
      %swap3A_93 = tpu.vector_load %arg7[%swap3A_91, %swap3A_92] {strides = array<i32>} : memref<64x512xf32, #tpu.memory_space<vmem>>, vector<1x16xf32>,
      %swap3A_94 = vector.shape_cast %swap3A_93 : vector<1x16xf32> to vector<16xf32>
      %swap3A_95 = vector.shape_cast %mul3A_90 : vector<16xf32> to vector<1x16xf32>
      tpu.vector_store %arg7[%swap3A_91, %swap3A_92], %swap3A_95 {strides = array<i32>} : memref<64x512xf32, #tpu.memory_space<vmem>>, vector<1x16xf32>,
      %get3A_96 = arith.index_cast %scan3A_12 : i32 to index
      %get3A_97 = arith.constant 80 : index
      %get3A_98 = tpu.vector_load %arg7[%get3A_96, %get3A_97] {strides = array<i32>} : memref<64x512xf32, #tpu.memory_space<vmem>>, vector<1x16xf32>,
      %get3A_99 = vector.shape_cast %get3A_98 : vector<1x16xf32> to vector<16xf32>
      %get3A_100 = arith.index_cast %scan3A_12 : i32 to index
      %get3A_101 = arith.constant 80 : index
      %get3A_102 = tpu.vector_load %arg8[%get3A_100, %get3A_101] {strides = array<i32>} : memref<64x512xf32, #tpu.memory_space<vmem>>, vector<1x16xf32>,
      %get3A_103 = vector.shape_cast %get3A_102 : vector<1x16xf32> to vector<16xf32>
      %add3A_104 = arith.addf %get3A_99, %get3A_103 : vector<16xf32>
      %mul3A_105 = arith.constant 5.000000e-01 : f32
      %mul3A_106 = vector.broadcast %mul3A_105 : f32 to vector<16xf32>
      %mul3A_107 = arith.mulf %add3A_104, %mul3A_106 : vector<16xf32>
      %swap3A_108 = arith.index_cast %scan3A_12 : i32 to index
      %swap3A_109 = arith.constant 80 : index
      %swap3A_110 = tpu.vector_load %arg7[%swap3A_108, %swap3A_109] {strides = array<i32>} : memref<64x512xf32, #tpu.memory_space<vmem>>, vector<1x16xf32>,
      %swap3A_111 = vector.shape_cast %swap3A_110 : vector<1x16xf32> to vector<16xf32>
      %swap3A_112 = vector.shape_cast %mul3A_107 : vector<16xf32> to vector<1x16xf32>
      tpu.vector_store %arg7[%swap3A_108, %swap3A_109], %swap3A_112 {strides = array<i32>} : memref<64x512xf32, #tpu.memory_space<vmem>>, vector<1x16xf32>,
      %get3A_113 = arith.index_cast %scan3A_12 : i32 to index
      %get3A_114 = arith.constant 96 : index
      %get3A_115 = tpu.vector_load %arg7[%get3A_113, %get3A_114] {strides = array<i32>} : memref<64x512xf32, #tpu.memory_space<vmem>>, vector<1x16xf32>,
      %get3A_116 = vector.shape_cast %get3A_115 : vector<1x16xf32> to vector<16xf32>
      %get3A_117 = arith.index_cast %scan3A_12 : i32 to index
      %get3A_118 = arith.constant 96 : index
      %get3A_119 = tpu.vector_load %arg8[%get3A_117, %get3A_118] {strides = array<i32>} : memref<64x512xf32, #tpu.memory_space<vmem>>, vector<1x16xf32>,
      %get3A_120 = vector.shape_cast %get3A_119 : vector<1x16xf32> to vector<16xf32>
      %add3A_121 = arith.addf %get3A_116, %get3A_120 : vector<16xf32>
      %mul3A_122 = arith.constant 5.000000e-01 : f32
      %mul3A_123 = vector.broadcast %mul3A_122 : f32 to vector<16xf32>
      %mul3A_124 = arith.mulf %add3A_121, %mul3A_123 : vector<16xf32>
      %swap3A_125 = arith.index_cast %scan3A_12 : i32 to index
      %swap3A_126 = arith.constant 96 : index
      %swap3A_127 = tpu.vector_load %arg7[%swap3A_125, %swap3A_126] {strides = array<i32>} : memref<64x512xf32, #tpu.memory_space<vmem>>, vector<1x16xf32>,
      %swap3A_128 = vector.shape_cast %swap3A_127 : vector<1x16xf32> to vector<16xf32>
      %swap3A_129 = vector.shape_cast %mul3A_124 : vector<16xf32> to vector<1x16xf32>
      tpu.vector_store %arg7[%swap3A_125, %swap3A_126], %swap3A_129 {strides = array<i32>} : memref<64x512xf32, #tpu.memory_space<vmem>>, vector<1x16xf32>,
      %get3A_130 = arith.index_cast %scan3A_12 : i32 to index
      %get3A_131 = arith.constant 112 : index
      %get3A_132 = tpu.vector_load %arg7[%get3A_130, %get3A_131] {strides = array<i32>} : memref<64x512xf32, #tpu.memory_space<vmem>>, vector<1x16xf32>,
      %get3A_133 = vector.shape_cast %get3A_132 : vector<1x16xf32> to vector<16xf32>
      %get3A_134 = arith.index_cast %scan3A_12 : i32 to index
      %get3A_135 = arith.constant 112 : index
      %get3A_136 = tpu.vector_load %arg8[%get3A_134, %get3A_135] {strides = array<i32>} : memref<64x512xf32, #tpu.memory_space<vmem>>, vector<1x16xf32>,
      %get3A_137 = vector.shape_cast %get3A_136 : vector<1x16xf32> to vector<16xf32>
      %add3A_138 = arith.addf %get3A_133, %get3A_137 : vector<16xf32>
      %mul3A_139 = arith.constant 5.000000e-01 : f32
      %mul3A_140 = vector.broadcast %mul3A_139 : f32 to vector<16xf32>
      %mul3A_141 = arith.mulf %add3A_138, %mul3A_140 : vector<16xf32>
      %swap3A_142 = arith.index_cast %scan3A_12 : i32 to index
      %swap3A_143 = arith.constant 112 : index
      %swap3A_144 = tpu.vector_load %arg7[%swap3A_142, %swap3A_143] {strides = array<i32>} : memref<64x512xf32, #tpu.memory_space<vmem>>, vector<1x16xf32>,
      %swap3A_145 = vector.shape_cast %swap3A_144 : vector<1x16xf32> to vector<16xf32>
      %swap3A_146 = vector.shape_cast %mul3A_141 : vector<16xf32> to vector<1x16xf32>
      tpu.vector_store %arg7[%swap3A_142, %swap3A_143], %swap3A_146 {strides = array<i32>} : memref<64x512xf32, #tpu.memory_space<vmem>>, vector<1x16xf32>,
      %get3A_147 = arith.index_cast %scan3A_12 : i32 to index
      %get3A_148 = arith.constant 128 : index
      %get3A_149 = tpu.vector_load %arg7[%get3A_147, %get3A_148] {strides = array<i32>} : memref<64x512xf32, #tpu.memory_space<vmem>>, vector<1x16xf32>,
      %get3A_150 = vector.shape_cast %get3A_149 : vector<1x16xf32> to vector<16xf32>
      %get3A_151 = arith.index_cast %scan3A_12 : i32 to index
      %get3A_152 = arith.constant 128 : index
      %get3A_153 = tpu.vector_load %arg8[%get3A_151, %get3A_152] {strides = array<i32>} : memref<64x512xf32, #tpu.memory_space<vmem>>, vector<1x16xf32>,
      %get3A_154 = vector.shape_cast %get3A_153 : vector<1x16xf32> to vector<16xf32>
      %add3A_155 = arith.addf %get3A_150, %get3A_154 : vector<16xf32>
      %mul3A_156 = arith.constant 5.000000e-01 : f32
      %mul3A_157 = vector.broadcast %mul3A_156 : f32 to vector<16xf32>
      %mul3A_158 = arith.mulf %add3A_155, %mul3A_157 : vector<16xf32>
      %swap3A_159 = arith.index_cast %scan3A_12 : i32 to index
      %swap3A_160 = arith.constant 128 : index
      %swap3A_161 = tpu.vector_load %arg7[%swap3A_159, %swap3A_160] {strides = array<i32>} : memref<64x512xf32, #tpu.memory_space<vmem>>, vector<1x16xf32>,
      %swap3A_162 = vector.shape_cast %swap3A_161 : vector<1x16xf32> to vector<16xf32>
      %swap3A_163 = vector.shape_cast %mul3A_158 : vector<16xf32> to vector<1x16xf32>
      tpu.vector_store %arg7[%swap3A_159, %swap3A_160], %swap3A_163 {strides = array<i32>} : memref<64x512xf32, #tpu.memory_space<vmem>>, vector<1x16xf32>,
      %get3A_164 = arith.index_cast %scan3A_12 : i32 to index
      %get3A_165 = arith.constant 144 : index
      %get3A_166 = tpu.vector_load %arg7[%get3A_164, %get3A_165] {strides = array<i32>} : memref<64x512xf32, #tpu.memory_space<vmem>>, vector<1x16xf32>,
      %get3A_167 = vector.shape_cast %get3A_166 : vector<1x16xf32> to vector<16xf32>
      %get3A_168 = arith.index_cast %scan3A_12 : i32 to index
      %get3A_169 = arith.constant 144 : index
      %get3A_170 = tpu.vector_load %arg8[%get3A_168, %get3A_169] {strides = array<i32>} : memref<64x512xf32, #tpu.memory_space<vmem>>, vector<1x16xf32>,
      %get3A_171 = vector.shape_cast %get3A_170 : vector<1x16xf32> to vector<16xf32>
      %add3A_172 = arith.addf %get3A_167, %get3A_171 : vector<16xf32>
      %mul3A_173 = arith.constant 5.000000e-01 : f32
      %mul3A_174 = vector.broadcast %mul3A_173 : f32 to vector<16xf32>
      %mul3A_175 = arith.mulf %add3A_172, %mul3A_174 : vector<16xf32>
      %swap3A_176 = arith.index_cast %scan3A_12 : i32 to index
      %swap3A_177 = arith.constant 144 : index
      %swap3A_178 = tpu.vector_load %arg7[%swap3A_176, %swap3A_177] {strides = array<i32>} : memref<64x512xf32, #tpu.memory_space<vmem>>, vector<1x16xf32>,
      %swap3A_179 = vector.shape_cast %swap3A_178 : vector<1x16xf32> to vector<16xf32>
      %swap3A_180 = vector.shape_cast %mul3A_175 : vector<16xf32> to vector<1x16xf32>
      tpu.vector_store %arg7[%swap3A_176, %swap3A_177], %swap3A_180 {strides = array<i32>} : memref<64x512xf32, #tpu.memory_space<vmem>>, vector<1x16xf32>,
      %get3A_181 = arith.index_cast %scan3A_12 : i32 to index
      %get3A_182 = arith.constant 160 : index
      %get3A_183 = tpu.vector_load %arg7[%get3A_181, %get3A_182] {strides = array<i32>} : memref<64x512xf32, #tpu.memory_space<vmem>>, vector<1x16xf32>,
      %get3A_184 = vector.shape_cast %get3A_183 : vector<1x16xf32> to vector<16xf32>
      %get3A_185 = arith.index_cast %scan3A_12 : i32 to index
      %get3A_186 = arith.constant 160 : index
      %get3A_187 = tpu.vector_load %arg8[%get3A_185, %get3A_186] {strides = array<i32>} : memref<64x512xf32, #tpu.memory_space<vmem>>, vector<1x16xf32>,
      %get3A_188 = vector.shape_cast %get3A_187 : vector<1x16xf32> to vector<16xf32>
      %add3A_189 = arith.addf %get3A_184, %get3A_188 : vector<16xf32>
      %mul3A_190 = arith.constant 5.000000e-01 : f32
      %mul3A_191 = vector.broadcast %mul3A_190 : f32 to vector<16xf32>
      %mul3A_192 = arith.mulf %add3A_189, %mul3A_191 : vector<16xf32>
      %swap3A_193 = arith.index_cast %scan3A_12 : i32 to index
      %swap3A_194 = arith.constant 160 : index
      %swap3A_195 = tpu.vector_load %arg7[%swap3A_193, %swap3A_194] {strides = array<i32>} : memref<64x512xf32, #tpu.memory_space<vmem>>, vector<1x16xf32>,
      %swap3A_196 = vector.shape_cast %swap3A_195 : vector<1x16xf32> to vector<16xf32>
      %swap3A_197 = vector.shape_cast %mul3A_192 : vector<16xf32> to vector<1x16xf32>
      tpu.vector_store %arg7[%swap3A_193, %swap3A_194], %swap3A_197 {strides = array<i32>} : memref<64x512xf32, #tpu.memory_space<vmem>>, vector<1x16xf32>,
      %get3A_198 = arith.index_cast %scan3A_12 : i32 to index
      %get3A_199 = arith.constant 176 : index
      %get3A_200 = tpu.vector_load %arg7[%get3A_198, %get3A_199] {strides = array<i32>} : memref<64x512xf32, #tpu.memory_space<vmem>>, vector<1x16xf32>,
      %get3A_201 = vector.shape_cast %get3A_200 : vector<1x16xf32> to vector<16xf32>
      %get3A_202 = arith.index_cast %scan3A_12 : i32 to index
      %get3A_203 = arith.constant 176 : index
      %get3A_204 = tpu.vector_load %arg8[%get3A_202, %get3A_203] {strides = array<i32>} : memref<64x512xf32, #tpu.memory_space<vmem>>, vector<1x16xf32>,
      %get3A_205 = vector.shape_cast %get3A_204 : vector<1x16xf32> to vector<16xf32>
      %add3A_206 = arith.addf %get3A_201, %get3A_205 : vector<16xf32>
      %mul3A_207 = arith.constant 5.000000e-01 : f32
      %mul3A_208 = vector.broadcast %mul3A_207 : f32 to vector<16xf32>
      %mul3A_209 = arith.mulf %add3A_206, %mul3A_208 : vector<16xf32>
      %swap3A_210 = arith.index_cast %scan3A_12 : i32 to index
      %swap3A_211 = arith.constant 176 : index
      %swap3A_212 = tpu.vector_load %arg7[%swap3A_210, %swap3A_211] {strides = array<i32>} : memref<64x512xf32, #tpu.memory_space<vmem>>, vector<1x16xf32>,
      %swap3A_213 = vector.shape_cast %swap3A_212 : vector<1x16xf32> to vector<16xf32>
      %swap3A_214 = vector.shape_cast %mul3A_209 : vector<16xf32> to vector<1x16xf32>
      tpu.vector_store %arg7[%swap3A_210, %swap3A_211], %swap3A_214 {strides = array<i32>} : memref<64x512xf32, #tpu.memory_space<vmem>>, vector<1x16xf32>,
      %get3A_215 = arith.index_cast %scan3A_12 : i32 to index
      %get3A_216 = arith.constant 192 : index
      %get3A_217 = tpu.vector_load %arg7[%get3A_215, %get3A_216] {strides = array<i32>} : memref<64x512xf32, #tpu.memory_space<vmem>>, vector<1x16xf32>,
      %get3A_218 = vector.shape_cast %get3A_217 : vector<1x16xf32> to vector<16xf32>
      %get3A_219 = arith.index_cast %scan3A_12 : i32 to index
      %get3A_220 = arith.constant 192 : index
      %get3A_221 = tpu.vector_load %arg8[%get3A_219, %get3A_220] {strides = array<i32>} : memref<64x512xf32, #tpu.memory_space<vmem>>, vector<1x16xf32>,
      %get3A_222 = vector.shape_cast %get3A_221 : vector<1x16xf32> to vector<16xf32>
      %add3A_223 = arith.addf %get3A_218, %get3A_222 : vector<16xf32>
      %mul3A_224 = arith.constant 5.000000e-01 : f32
      %mul3A_225 = vector.broadcast %mul3A_224 : f32 to vector<16xf32>
      %mul3A_226 = arith.mulf %add3A_223, %mul3A_225 : vector<16xf32>
      %swap3A_227 = arith.index_cast %scan3A_12 : i32 to index
      %swap3A_228 = arith.constant 192 : index
      %swap3A_229 = tpu.vector_load %arg7[%swap3A_227, %swap3A_228] {strides = array<i32>} : memref<64x512xf32, #tpu.memory_space<vmem>>, vector<1x16xf32>,
      %swap3A_230 = vector.shape_cast %swap3A_229 : vector<1x16xf32> to vector<16xf32>
      %swap3A_231 = vector.shape_cast %mul3A_226 : vector<16xf32> to vector<1x16xf32>
      tpu.vector_store %arg7[%swap3A_227, %swap3A_228], %swap3A_231 {strides = array<i32>} : memref<64x512xf32, #tpu.memory_space<vmem>>, vector<1x16xf32>,
      %get3A_232 = arith.index_cast %scan3A_12 : i32 to index
      %get3A_233 = arith.constant 208 : index
      %get3A_234 = tpu.vector_load %arg7[%get3A_232, %get3A_233] {strides = array<i32>} : memref<64x512xf32, #tpu.memory_space<vmem>>, vector<1x16xf32>,
      %get3A_235 = vector.shape_cast %get3A_234 : vector<1x16xf32> to vector<16xf32>
      %get3A_236 = arith.index_cast %scan3A_12 : i32 to index
      %get3A_237 = arith.constant 208 : index
      %get3A_238 = tpu.vector_load %arg8[%get3A_236, %get3A_237] {strides = array<i32>} : memref<64x512xf32, #tpu.memory_space<vmem>>, vector<1x16xf32>,
      %get3A_239 = vector.shape_cast %get3A_238 : vector<1x16xf32> to vector<16xf32>
      %add3A_240 = arith.addf %get3A_235, %get3A_239 : vector<16xf32>
      %mul3A_241 = arith.constant 5.000000e-01 : f32
      %mul3A_242 = vector.broadcast %mul3A_241 : f32 to vector<16xf32>
      %mul3A_243 = arith.mulf %add3A_240, %mul3A_242 : vector<16xf32>
      %swap3A_244 = arith.index_cast %scan3A_12 : i32 to index
      %swap3A_245 = arith.constant 208 : index
      %swap3A_246 = tpu.vector_load %arg7[%swap3A_244, %swap3A_245] {strides = array<i32>} : memref<64x512xf32, #tpu.memory_space<vmem>>, vector<1x16xf32>,
      %swap3A_247 = vector.shape_cast %swap3A_246 : vector<1x16xf32> to vector<16xf32>
      %swap3A_248 = vector.shape_cast %mul3A_243 : vector<16xf32> to vector<1x16xf32>
      tpu.vector_store %arg7[%swap3A_244, %swap3A_245], %swap3A_248 {strides = array<i32>} : memref<64x512xf32, #tpu.memory_space<vmem>>, vector<1x16xf32>,
      %get3A_249 = arith.index_cast %scan3A_12 : i32 to index
      %get3A_250 = arith.constant 224 : index
      %get3A_251 = tpu.vector_load %arg7[%get3A_249, %get3A_250] {strides = array<i32>} : memref<64x512xf32, #tpu.memory_space<vmem>>, vector<1x16xf32>,
      %get3A_252 = vector.shape_cast %get3A_251 : vector<1x16xf32> to vector<16xf32>
      %get3A_253 = arith.index_cast %scan3A_12 : i32 to index
      %get3A_254 = arith.constant 224 : index
      %get3A_255 = tpu.vector_load %arg8[%get3A_253, %get3A_254] {strides = array<i32>} : memref<64x512xf32, #tpu.memory_space<vmem>>, vector<1x16xf32>,
      %get3A_256 = vector.shape_cast %get3A_255 : vector<1x16xf32> to vector<16xf32>
      %add3A_257 = arith.addf %get3A_252, %get3A_256 : vector<16xf32>
      %mul3A_258 = arith.constant 5.000000e-01 : f32
      %mul3A_259 = vector.broadcast %mul3A_258 : f32 to vector<16xf32>
      %mul3A_260 = arith.mulf %add3A_257, %mul3A_259 : vector<16xf32>
      %swap3A_261 = arith.index_cast %scan3A_12 : i32 to index
      %swap3A_262 = arith.constant 224 : index
      %swap3A_263 = tpu.vector_load %arg7[%swap3A_261, %swap3A_262] {strides = array<i32>} : memref<64x512xf32, #tpu.memory_space<vmem>>, vector<1x16xf32>,
      %swap3A_264 = vector.shape_cast %swap3A_263 : vector<1x16xf32> to vector<16xf32>
      %swap3A_265 = vector.shape_cast %mul3A_260 : vector<16xf32> to vector<1x16xf32>
      tpu.vector_store %arg7[%swap3A_261, %swap3A_262], %swap3A_265 {strides = array<i32>} : memref<64x512xf32, #tpu.memory_space<vmem>>, vector<1x16xf32>,
      %get3A_266 = arith.index_cast %scan3A_12 : i32 to index
      %get3A_267 = arith.constant 240 : index
      %get3A_268 = tpu.vector_load %arg7[%get3A_266, %get3A_267] {strides = array<i32>} : memref<64x512xf32, #tpu.memory_space<vmem>>, vector<1x16xf32>,
      %get3A_269 = vector.shape_cast %get3A_268 : vector<1x16xf32> to vector<16xf32>
      %get3A_270 = arith.index_cast %scan3A_12 : i32 to index
      %get3A_271 = arith.constant 240 : index
      %get3A_272 = tpu.vector_load %arg8[%get3A_270, %get3A_271] {strides = array<i32>} : memref<64x512xf32, #tpu.memory_space<vmem>>, vector<1x16xf32>,
      %get3A_273 = vector.shape_cast %get3A_272 : vector<1x16xf32> to vector<16xf32>
      %add3A_274 = arith.addf %get3A_269, %get3A_273 : vector<16xf32>
      %mul3A_275 = arith.constant 5.000000e-01 : f32
      %mul3A_276 = vector.broadcast %mul3A_275 : f32 to vector<16xf32>
      %mul3A_277 = arith.mulf %add3A_274, %mul3A_276 : vector<16xf32>
      %swap3A_278 = arith.index_cast %scan3A_12 : i32 to index
      %swap3A_279 = arith.constant 240 : index
      %swap3A_280 = tpu.vector_load %arg7[%swap3A_278, %swap3A_279] {strides = array<i32>} : memref<64x512xf32, #tpu.memory_space<vmem>>, vector<1x16xf32>,
      %swap3A_281 = vector.shape_cast %swap3A_280 : vector<1x16xf32> to vector<16xf32>
      %swap3A_282 = vector.shape_cast %mul3A_277 : vector<16xf32> to vector<1x16xf32>
      tpu.vector_store %arg7[%swap3A_278, %swap3A_279], %swap3A_282 {strides = array<i32>} : memref<64x512xf32, #tpu.memory_space<vmem>>, vector<1x16xf32>,
      %get3A_283 = arith.index_cast %scan3A_12 : i32 to index
      %get3A_284 = arith.constant 256 : index
      %get3A_285 = tpu.vector_load %arg7[%get3A_283, %get3A_284] {strides = array<i32>} : memref<64x512xf32, #tpu.memory_space<vmem>>, vector<1x16xf32>,
      %get3A_286 = vector.shape_cast %get3A_285 : vector<1x16xf32> to vector<16xf32>
      %get3A_287 = arith.index_cast %scan3A_12 : i32 to index
      %get3A_288 = arith.constant 256 : index
      %get3A_289 = tpu.vector_load %arg8[%get3A_287, %get3A_288] {strides = array<i32>} : memref<64x512xf32, #tpu.memory_space<vmem>>, vector<1x16xf32>,
      %get3A_290 = vector.shape_cast %get3A_289 : vector<1x16xf32> to vector<16xf32>
      %add3A_291 = arith.addf %get3A_286, %get3A_290 : vector<16xf32>
      %mul3A_292 = arith.constant 5.000000e-01 : f32
      %mul3A_293 = vector.broadcast %mul3A_292 : f32 to vector<16xf32>
      %mul3A_294 = arith.mulf %add3A_291, %mul3A_293 : vector<16xf32>
      %swap3A_295 = arith.index_cast %scan3A_12 : i32 to index
      %swap3A_296 = arith.constant 256 : index
      %swap3A_297 = tpu.vector_load %arg7[%swap3A_295, %swap3A_296] {strides = array<i32>} : memref<64x512xf32, #tpu.memory_space<vmem>>, vector<1x16xf32>,
      %swap3A_298 = vector.shape_cast %swap3A_297 : vector<1x16xf32> to vector<16xf32>
      %swap3A_299 = vector.shape_cast %mul3A_294 : vector<16xf32> to vector<1x16xf32>
      tpu.vector_store %arg7[%swap3A_295, %swap3A_296], %swap3A_299 {strides = array<i32>} : memref<64x512xf32, #tpu.memory_space<vmem>>, vector<1x16xf32>,
      %get3A_300 = arith.index_cast %scan3A_12 : i32 to index
      %get3A_301 = arith.constant 272 : index
      %get3A_302 = tpu.vector_load %arg7[%get3A_300, %get3A_301] {strides = array<i32>} : memref<64x512xf32, #tpu.memory_space<vmem>>, vector<1x16xf32>,
      %get3A_303 = vector.shape_cast %get3A_302 : vector<1x16xf32> to vector<16xf32>
      %get3A_304 = arith.index_cast %scan3A_12 : i32 to index
      %get3A_305 = arith.constant 272 : index
      %get3A_306 = tpu.vector_load %arg8[%get3A_304, %get3A_305] {strides = array<i32>} : memref<64x512xf32, #tpu.memory_space<vmem>>, vector<1x16xf32>,
      %get3A_307 = vector.shape_cast %get3A_306 : vector<1x16xf32> to vector<16xf32>
      %add3A_308 = arith.addf %get3A_303, %get3A_307 : vector<16xf32>
      %mul3A_309 = arith.constant 5.000000e-01 : f32
      %mul3A_310 = vector.broadcast %mul3A_309 : f32 to vector<16xf32>
      %mul3A_311 = arith.mulf %add3A_308, %mul3A_310 : vector<16xf32>
      %swap3A_312 = arith.index_cast %scan3A_12 : i32 to index
      %swap3A_313 = arith.constant 272 : index
      %swap3A_314 = tpu.vector_load %arg7[%swap3A_312, %swap3A_313] {strides = array<i32>} : memref<64x512xf32, #tpu.memory_space<vmem>>, vector<1x16xf32>,
      %swap3A_315 = vector.shape_cast %swap3A_314 : vector<1x16xf32> to vector<16xf32>
      %swap3A_316 = vector.shape_cast %mul3A_311 : vector<16xf32> to vector<1x16xf32>
      tpu.vector_store %arg7[%swap3A_312, %swap3A_313], %swap3A_316 {strides = array<i32>} : memref<64x512xf32, #tpu.memory_space<vmem>>, vector<1x16xf32>,
      %get3A_317 = arith.index_cast %scan3A_12 : i32 to index
      %get3A_318 = arith.constant 288 : index
      %get3A_319 = tpu.vector_load %arg7[%get3A_317, %get3A_318] {strides = array<i32>} : memref<64x512xf32, #tpu.memory_space<vmem>>, vector<1x16xf32>,
      %get3A_320 = vector.shape_cast %get3A_319 : vector<1x16xf32> to vector<16xf32>
      %get3A_321 = arith.index_cast %scan3A_12 : i32 to index
      %get3A_322 = arith.constant 288 : index
      %get3A_323 = tpu.vector_load %arg8[%get3A_321, %get3A_322] {strides = array<i32>} : memref<64x512xf32, #tpu.memory_space<vmem>>, vector<1x16xf32>,
      %get3A_324 = vector.shape_cast %get3A_323 : vector<1x16xf32> to vector<16xf32>
      %add3A_325 = arith.addf %get3A_320, %get3A_324 : vector<16xf32>
      %mul3A_326 = arith.constant 5.000000e-01 : f32
      %mul3A_327 = vector.broadcast %mul3A_326 : f32 to vector<16xf32>
      %mul3A_328 = arith.mulf %add3A_325, %mul3A_327 : vector<16xf32>
      %swap3A_329 = arith.index_cast %scan3A_12 : i32 to index
      %swap3A_330 = arith.constant 288 : index
      %swap3A_331 = tpu.vector_load %arg7[%swap3A_329, %swap3A_330] {strides = array<i32>} : memref<64x512xf32, #tpu.memory_space<vmem>>, vector<1x16xf32>,
      %swap3A_332 = vector.shape_cast %swap3A_331 : vector<1x16xf32> to vector<16xf32>
      %swap3A_333 = vector.shape_cast %mul3A_328 : vector<16xf32> to vector<1x16xf32>
      tpu.vector_store %arg7[%swap3A_329, %swap3A_330], %swap3A_333 {strides = array<i32>} : memref<64x512xf32, #tpu.memory_space<vmem>>, vector<1x16xf32>,
      %get3A_334 = arith.index_cast %scan3A_12 : i32 to index
      %get3A_335 = arith.constant 304 : index
      %get3A_336 = tpu.vector_load %arg7[%get3A_334, %get3A_335] {strides = array<i32>} : memref<64x512xf32, #tpu.memory_space<vmem>>, vector<1x16xf32>,
      %get3A_337 = vector.shape_cast %get3A_336 : vector<1x16xf32> to vector<16xf32>
      %get3A_338 = arith.index_cast %scan3A_12 : i32 to index
      %get3A_339 = arith.constant 304 : index
      %get3A_340 = tpu.vector_load %arg8[%get3A_338, %get3A_339] {strides = array<i32>} : memref<64x512xf32, #tpu.memory_space<vmem>>, vector<1x16xf32>,
      %get3A_341 = vector.shape_cast %get3A_340 : vector<1x16xf32> to vector<16xf32>
      %add3A_342 = arith.addf %get3A_337, %get3A_341 : vector<16xf32>
      %mul3A_343 = arith.constant 5.000000e-01 : f32
      %mul3A_344 = vector.broadcast %mul3A_343 : f32 to vector<16xf32>
      %mul3A_345 = arith.mulf %add3A_342, %mul3A_344 : vector<16xf32>
      %swap3A_346 = arith.index_cast %scan3A_12 : i32 to index
      %swap3A_347 = arith.constant 304 : index
      %swap3A_348 = tpu.vector_load %arg7[%swap3A_346, %swap3A_347] {strides = array<i32>} : memref<64x512xf32, #tpu.memory_space<vmem>>, vector<1x16xf32>,
      %swap3A_349 = vector.shape_cast %swap3A_348 : vector<1x16xf32> to vector<16xf32>
      %swap3A_350 = vector.shape_cast %mul3A_345 : vector<16xf32> to vector<1x16xf32>
      tpu.vector_store %arg7[%swap3A_346, %swap3A_347], %swap3A_350 {strides = array<i32>} : memref<64x512xf32, #tpu.memory_space<vmem>>, vector<1x16xf32>,
      %get3A_351 = arith.index_cast %scan3A_12 : i32 to index
      %get3A_352 = arith.constant 320 : index
      %get3A_353 = tpu.vector_load %arg7[%get3A_351, %get3A_352] {strides = array<i32>} : memref<64x512xf32, #tpu.memory_space<vmem>>, vector<1x16xf32>,
      %get3A_354 = vector.shape_cast %get3A_353 : vector<1x16xf32> to vector<16xf32>
      %get3A_355 = arith.index_cast %scan3A_12 : i32 to index
      %get3A_356 = arith.constant 320 : index
      %get3A_357 = tpu.vector_load %arg8[%get3A_355, %get3A_356] {strides = array<i32>} : memref<64x512xf32, #tpu.memory_space<vmem>>, vector<1x16xf32>,
      %get3A_358 = vector.shape_cast %get3A_357 : vector<1x16xf32> to vector<16xf32>
      %add3A_359 = arith.addf %get3A_354, %get3A_358 : vector<16xf32>
      %mul3A_360 = arith.constant 5.000000e-01 : f32
      %mul3A_361 = vector.broadcast %mul3A_360 : f32 to vector<16xf32>
      %mul3A_362 = arith.mulf %add3A_359, %mul3A_361 : vector<16xf32>
      %swap3A_363 = arith.index_cast %scan3A_12 : i32 to index
      %swap3A_364 = arith.constant 320 : index
      %swap3A_365 = tpu.vector_load %arg7[%swap3A_363, %swap3A_364] {strides = array<i32>} : memref<64x512xf32, #tpu.memory_space<vmem>>, vector<1x16xf32>,
      %swap3A_366 = vector.shape_cast %swap3A_365 : vector<1x16xf32> to vector<16xf32>
      %swap3A_367 = vector.shape_cast %mul3A_362 : vector<16xf32> to vector<1x16xf32>
      tpu.vector_store %arg7[%swap3A_363, %swap3A_364], %swap3A_367 {strides = array<i32>} : memref<64x512xf32, #tpu.memory_space<vmem>>, vector<1x16xf32>,
      %get3A_368 = arith.index_cast %scan3A_12 : i32 to index
      %get3A_369 = arith.constant 336 : index
      %get3A_370 = tpu.vector_load %arg7[%get3A_368, %get3A_369] {strides = array<i32>} : memref<64x512xf32, #tpu.memory_space<vmem>>, vector<1x16xf32>,
      %get3A_371 = vector.shape_cast %get3A_370 : vector<1x16xf32> to vector<16xf32>
      %get3A_372 = arith.index_cast %scan3A_12 : i32 to index
      %get3A_373 = arith.constant 336 : index
      %get3A_374 = tpu.vector_load %arg8[%get3A_372, %get3A_373] {strides = array<i32>} : memref<64x512xf32, #tpu.memory_space<vmem>>, vector<1x16xf32>,
      %get3A_375 = vector.shape_cast %get3A_374 : vector<1x16xf32> to vector<16xf32>
      %add3A_376 = arith.addf %get3A_371, %get3A_375 : vector<16xf32>
      %mul3A_377 = arith.constant 5.000000e-01 : f32
      %mul3A_378 = vector.broadcast %mul3A_377 : f32 to vector<16xf32>
      %mul3A_379 = arith.mulf %add3A_376, %mul3A_378 : vector<16xf32>
      %swap3A_380 = arith.index_cast %scan3A_12 : i32 to index
      %swap3A_381 = arith.constant 336 : index
      %swap3A_382 = tpu.vector_load %arg7[%swap3A_380, %swap3A_381] {strides = array<i32>} : memref<64x512xf32, #tpu.memory_space<vmem>>, vector<1x16xf32>,
      %swap3A_383 = vector.shape_cast %swap3A_382 : vector<1x16xf32> to vector<16xf32>
      %swap3A_384 = vector.shape_cast %mul3A_379 : vector<16xf32> to vector<1x16xf32>
      tpu.vector_store %arg7[%swap3A_380, %swap3A_381], %swap3A_384 {strides = array<i32>} : memref<64x512xf32, #tpu.memory_space<vmem>>, vector<1x16xf32>,
      %get3A_385 = arith.index_cast %scan3A_12 : i32 to index
      %get3A_386 = arith.constant 352 : index
      %get3A_387 = tpu.vector_load %arg7[%get3A_385, %get3A_386] {strides = array<i32>} : memref<64x512xf32, #tpu.memory_space<vmem>>, vector<1x16xf32>,
      %get3A_388 = vector.shape_cast %get3A_387 : vector<1x16xf32> to vector<16xf32>
      %get3A_389 = arith.index_cast %scan3A_12 : i32 to index
      %get3A_390 = arith.constant 352 : index
      %get3A_391 = tpu.vector_load %arg8[%get3A_389, %get3A_390] {strides = array<i32>} : memref<64x512xf32, #tpu.memory_space<vmem>>, vector<1x16xf32>,
      %get3A_392 = vector.shape_cast %get3A_391 : vector<1x16xf32> to vector<16xf32>
      %add3A_393 = arith.addf %get3A_388, %get3A_392 : vector<16xf32>
      %mul3A_394 = arith.constant 5.000000e-01 : f32
      %mul3A_395 = vector.broadcast %mul3A_394 : f32 to vector<16xf32>
      %mul3A_396 = arith.mulf %add3A_393, %mul3A_395 : vector<16xf32>
      %swap3A_397 = arith.index_cast %scan3A_12 : i32 to index
      %swap3A_398 = arith.constant 352 : index
      %swap3A_399 = tpu.vector_load %arg7[%swap3A_397, %swap3A_398] {strides = array<i32>} : memref<64x512xf32, #tpu.memory_space<vmem>>, vector<1x16xf32>,
      %swap3A_400 = vector.shape_cast %swap3A_399 : vector<1x16xf32> to vector<16xf32>
      %swap3A_401 = vector.shape_cast %mul3A_396 : vector<16xf32> to vector<1x16xf32>
      tpu.vector_store %arg7[%swap3A_397, %swap3A_398], %swap3A_401 {strides = array<i32>} : memref<64x512xf32, #tpu.memory_space<vmem>>, vector<1x16xf32>,
      %get3A_402 = arith.index_cast %scan3A_12 : i32 to index
      %get3A_403 = arith.constant 368 : index
      %get3A_404 = tpu.vector_load %arg7[%get3A_402, %get3A_403] {strides = array<i32>} : memref<64x512xf32, #tpu.memory_space<vmem>>, vector<1x16xf32>,
      %get3A_405 = vector.shape_cast %get3A_404 : vector<1x16xf32> to vector<16xf32>
      %get3A_406 = arith.index_cast %scan3A_12 : i32 to index
      %get3A_407 = arith.constant 368 : index
      %get3A_408 = tpu.vector_load %arg8[%get3A_406, %get3A_407] {strides = array<i32>} : memref<64x512xf32, #tpu.memory_space<vmem>>, vector<1x16xf32>,
      %get3A_409 = vector.shape_cast %get3A_408 : vector<1x16xf32> to vector<16xf32>
      %add3A_410 = arith.addf %get3A_405, %get3A_409 : vector<16xf32>
      %mul3A_411 = arith.constant 5.000000e-01 : f32
      %mul3A_412 = vector.broadcast %mul3A_411 : f32 to vector<16xf32>
      %mul3A_413 = arith.mulf %add3A_410, %mul3A_412 : vector<16xf32>
      %swap3A_414 = arith.index_cast %scan3A_12 : i32 to index
      %swap3A_415 = arith.constant 368 : index
      %swap3A_416 = tpu.vector_load %arg7[%swap3A_414, %swap3A_415] {strides = array<i32>} : memref<64x512xf32, #tpu.memory_space<vmem>>, vector<1x16xf32>,
      %swap3A_417 = vector.shape_cast %swap3A_416 : vector<1x16xf32> to vector<16xf32>
      %swap3A_418 = vector.shape_cast %mul3A_413 : vector<16xf32> to vector<1x16xf32>
      tpu.vector_store %arg7[%swap3A_414, %swap3A_415], %swap3A_418 {strides = array<i32>} : memref<64x512xf32, #tpu.memory_space<vmem>>, vector<1x16xf32>,
      %get3A_419 = arith.index_cast %scan3A_12 : i32 to index
      %get3A_420 = arith.constant 384 : index
      %get3A_421 = tpu.vector_load %arg7[%get3A_419, %get3A_420] {strides = array<i32>} : memref<64x512xf32, #tpu.memory_space<vmem>>, vector<1x16xf32>,
      %get3A_422 = vector.shape_cast %get3A_421 : vector<1x16xf32> to vector<16xf32>
      %get3A_423 = arith.index_cast %scan3A_12 : i32 to index
      %get3A_424 = arith.constant 384 : index
      %get3A_425 = tpu.vector_load %arg8[%get3A_423, %get3A_424] {strides = array<i32>} : memref<64x512xf32, #tpu.memory_space<vmem>>, vector<1x16xf32>,
      %get3A_426 = vector.shape_cast %get3A_425 : vector<1x16xf32> to vector<16xf32>
      %add3A_427 = arith.addf %get3A_422, %get3A_426 : vector<16xf32>
      %mul3A_428 = arith.constant 5.000000e-01 : f32
      %mul3A_429 = vector.broadcast %mul3A_428 : f32 to vector<16xf32>
      %mul3A_430 = arith.mulf %add3A_427, %mul3A_429 : vector<16xf32>
      %swap3A_431 = arith.index_cast %scan3A_12 : i32 to index
      %swap3A_432 = arith.constant 384 : index
      %swap3A_433 = tpu.vector_load %arg7[%swap3A_431, %swap3A_432] {strides = array<i32>} : memref<64x512xf32, #tpu.memory_space<vmem>>, vector<1x16xf32>,
      %swap3A_434 = vector.shape_cast %swap3A_433 : vector<1x16xf32> to vector<16xf32>
      %swap3A_435 = vector.shape_cast %mul3A_430 : vector<16xf32> to vector<1x16xf32>
      tpu.vector_store %arg7[%swap3A_431, %swap3A_432], %swap3A_435 {strides = array<i32>} : memref<64x512xf32, #tpu.memory_space<vmem>>, vector<1x16xf32>,
      %get3A_436 = arith.index_cast %scan3A_12 : i32 to index
      %get3A_437 = arith.constant 400 : index
      %get3A_438 = tpu.vector_load %arg7[%get3A_436, %get3A_437] {strides = array<i32>} : memref<64x512xf32, #tpu.memory_space<vmem>>, vector<1x16xf32>,
      %get3A_439 = vector.shape_cast %get3A_438 : vector<1x16xf32> to vector<16xf32>
      %get3A_440 = arith.index_cast %scan3A_12 : i32 to index
      %get3A_441 = arith.constant 400 : index
      %get3A_442 = tpu.vector_load %arg8[%get3A_440, %get3A_441] {strides = array<i32>} : memref<64x512xf32, #tpu.memory_space<vmem>>, vector<1x16xf32>,
      %get3A_443 = vector.shape_cast %get3A_442 : vector<1x16xf32> to vector<16xf32>
      %add3A_444 = arith.addf %get3A_439, %get3A_443 : vector<16xf32>
      %mul3A_445 = arith.constant 5.000000e-01 : f32
      %mul3A_446 = vector.broadcast %mul3A_445 : f32 to vector<16xf32>
      %mul3A_447 = arith.mulf %add3A_444, %mul3A_446 : vector<16xf32>
      %swap3A_448 = arith.index_cast %scan3A_12 : i32 to index
      %swap3A_449 = arith.constant 400 : index
      %swap3A_450 = tpu.vector_load %arg7[%swap3A_448, %swap3A_449] {strides = array<i32>} : memref<64x512xf32, #tpu.memory_space<vmem>>, vector<1x16xf32>,
      %swap3A_451 = vector.shape_cast %swap3A_450 : vector<1x16xf32> to vector<16xf32>
      %swap3A_452 = vector.shape_cast %mul3A_447 : vector<16xf32> to vector<1x16xf32>
      tpu.vector_store %arg7[%swap3A_448, %swap3A_449], %swap3A_452 {strides = array<i32>} : memref<64x512xf32, #tpu.memory_space<vmem>>, vector<1x16xf32>,
      %get3A_453 = arith.index_cast %scan3A_12 : i32 to index
      %get3A_454 = arith.constant 416 : index
      %get3A_455 = tpu.vector_load %arg7[%get3A_453, %get3A_454] {strides = array<i32>} : memref<64x512xf32, #tpu.memory_space<vmem>>, vector<1x16xf32>,
      %get3A_456 = vector.shape_cast %get3A_455 : vector<1x16xf32> to vector<16xf32>
      %get3A_457 = arith.index_cast %scan3A_12 : i32 to index
      %get3A_458 = arith.constant 416 : index
      %get3A_459 = tpu.vector_load %arg8[%get3A_457, %get3A_458] {strides = array<i32>} : memref<64x512xf32, #tpu.memory_space<vmem>>, vector<1x16xf32>,
      %get3A_460 = vector.shape_cast %get3A_459 : vector<1x16xf32> to vector<16xf32>
      %add3A_461 = arith.addf %get3A_456, %get3A_460 : vector<16xf32>
      %mul3A_462 = arith.constant 5.000000e-01 : f32
      %mul3A_463 = vector.broadcast %mul3A_462 : f32 to vector<16xf32>
      %mul3A_464 = arith.mulf %add3A_461, %mul3A_463 : vector<16xf32>
      %swap3A_465 = arith.index_cast %scan3A_12 : i32 to index
      %swap3A_466 = arith.constant 416 : index
      %swap3A_467 = tpu.vector_load %arg7[%swap3A_465, %swap3A_466] {strides = array<i32>} : memref<64x512xf32, #tpu.memory_space<vmem>>, vector<1x16xf32>,
      %swap3A_468 = vector.shape_cast %swap3A_467 : vector<1x16xf32> to vector<16xf32>
      %swap3A_469 = vector.shape_cast %mul3A_464 : vector<16xf32> to vector<1x16xf32>
      tpu.vector_store %arg7[%swap3A_465, %swap3A_466], %swap3A_469 {strides = array<i32>} : memref<64x512xf32, #tpu.memory_space<vmem>>, vector<1x16xf32>,
      %get3A_470 = arith.index_cast %scan3A_12 : i32 to index
      %get3A_471 = arith.constant 432 : index
      %get3A_472 = tpu.vector_load %arg7[%get3A_470, %get3A_471] {strides = array<i32>} : memref<64x512xf32, #tpu.memory_space<vmem>>, vector<1x16xf32>,
      %get3A_473 = vector.shape_cast %get3A_472 : vector<1x16xf32> to vector<16xf32>
      %get3A_474 = arith.index_cast %scan3A_12 : i32 to index
      %get3A_475 = arith.constant 432 : index
      %get3A_476 = tpu.vector_load %arg8[%get3A_474, %get3A_475] {strides = array<i32>} : memref<64x512xf32, #tpu.memory_space<vmem>>, vector<1x16xf32>,
      %get3A_477 = vector.shape_cast %get3A_476 : vector<1x16xf32> to vector<16xf32>
      %add3A_478 = arith.addf %get3A_473, %get3A_477 : vector<16xf32>
      %mul3A_479 = arith.constant 5.000000e-01 : f32
      %mul3A_480 = vector.broadcast %mul3A_479 : f32 to vector<16xf32>
      %mul3A_481 = arith.mulf %add3A_478, %mul3A_480 : vector<16xf32>
      %swap3A_482 = arith.index_cast %scan3A_12 : i32 to index
      %swap3A_483 = arith.constant 432 : index
      %swap3A_484 = tpu.vector_load %arg7[%swap3A_482, %swap3A_483] {strides = array<i32>} : memref<64x512xf32, #tpu.memory_space<vmem>>, vector<1x16xf32>,
      %swap3A_485 = vector.shape_cast %swap3A_484 : vector<1x16xf32> to vector<16xf32>
      %swap3A_486 = vector.shape_cast %mul3A_481 : vector<16xf32> to vector<1x16xf32>
      tpu.vector_store %arg7[%swap3A_482, %swap3A_483], %swap3A_486 {strides = array<i32>} : memref<64x512xf32, #tpu.memory_space<vmem>>, vector<1x16xf32>,
      %get3A_487 = arith.index_cast %scan3A_12 : i32 to index
      %get3A_488 = arith.constant 448 : index
      %get3A_489 = tpu.vector_load %arg7[%get3A_487, %get3A_488] {strides = array<i32>} : memref<64x512xf32, #tpu.memory_space<vmem>>, vector<1x16xf32>,
      %get3A_490 = vector.shape_cast %get3A_489 : vector<1x16xf32> to vector<16xf32>
      %get3A_491 = arith.index_cast %scan3A_12 : i32 to index
      %get3A_492 = arith.constant 448 : index
      %get3A_493 = tpu.vector_load %arg8[%get3A_491, %get3A_492] {strides = array<i32>} : memref<64x512xf32, #tpu.memory_space<vmem>>, vector<1x16xf32>,
      %get3A_494 = vector.shape_cast %get3A_493 : vector<1x16xf32> to vector<16xf32>
      %add3A_495 = arith.addf %get3A_490, %get3A_494 : vector<16xf32>
      %mul3A_496 = arith.constant 5.000000e-01 : f32
      %mul3A_497 = vector.broadcast %mul3A_496 : f32 to vector<16xf32>
      %mul3A_498 = arith.mulf %add3A_495, %mul3A_497 : vector<16xf32>
      %swap3A_499 = arith.index_cast %scan3A_12 : i32 to index
      %swap3A_500 = arith.constant 448 : index
      %swap3A_501 = tpu.vector_load %arg7[%swap3A_499, %swap3A_500] {strides = array<i32>} : memref<64x512xf32, #tpu.memory_space<vmem>>, vector<1x16xf32>,
      %swap3A_502 = vector.shape_cast %swap3A_501 : vector<1x16xf32> to vector<16xf32>
      %swap3A_503 = vector.shape_cast %mul3A_498 : vector<16xf32> to vector<1x16xf32>
      tpu.vector_store %arg7[%swap3A_499, %swap3A_500], %swap3A_503 {strides = array<i32>} : memref<64x512xf32, #tpu.memory_space<vmem>>, vector<1x16xf32>,
      %get3A_504 = arith.index_cast %scan3A_12 : i32 to index
      %get3A_505 = arith.constant 464 : index
      %get3A_506 = tpu.vector_load %arg7[%get3A_504, %get3A_505] {strides = array<i32>} : memref<64x512xf32, #tpu.memory_space<vmem>>, vector<1x16xf32>,
      %get3A_507 = vector.shape_cast %get3A_506 : vector<1x16xf32> to vector<16xf32>
      %get3A_508 = arith.index_cast %scan3A_12 : i32 to index
      %get3A_509 = arith.constant 464 : index
      %get3A_510 = tpu.vector_load %arg8[%get3A_508, %get3A_509] {strides = array<i32>} : memref<64x512xf32, #tpu.memory_space<vmem>>, vector<1x16xf32>,
      %get3A_511 = vector.shape_cast %get3A_510 : vector<1x16xf32> to vector<16xf32>
      %add3A_512 = arith.addf %get3A_507, %get3A_511 : vector<16xf32>
      %mul3A_513 = arith.constant 5.000000e-01 : f32
      %mul3A_514 = vector.broadcast %mul3A_513 : f32 to vector<16xf32>
      %mul3A_515 = arith.mulf %add3A_512, %mul3A_514 : vector<16xf32>
      %swap3A_516 = arith.index_cast %scan3A_12 : i32 to index
      %swap3A_517 = arith.constant 464 : index
      %swap3A_518 = tpu.vector_load %arg7[%swap3A_516, %swap3A_517] {strides = array<i32>} : memref<64x512xf32, #tpu.memory_space<vmem>>, vector<1x16xf32>,
      %swap3A_519 = vector.shape_cast %swap3A_518 : vector<1x16xf32> to vector<16xf32>
      %swap3A_520 = vector.shape_cast %mul3A_515 : vector<16xf32> to vector<1x16xf32>
      tpu.vector_store %arg7[%swap3A_516, %swap3A_517], %swap3A_520 {strides = array<i32>} : memref<64x512xf32, #tpu.memory_space<vmem>>, vector<1x16xf32>,
      %get3A_521 = arith.index_cast %scan3A_12 : i32 to index
      %get3A_522 = arith.constant 480 : index
      %get3A_523 = tpu.vector_load %arg7[%get3A_521, %get3A_522] {strides = array<i32>} : memref<64x512xf32, #tpu.memory_space<vmem>>, vector<1x16xf32>,
      %get3A_524 = vector.shape_cast %get3A_523 : vector<1x16xf32> to vector<16xf32>
      %get3A_525 = arith.index_cast %scan3A_12 : i32 to index
      %get3A_526 = arith.constant 480 : index
      %get3A_527 = tpu.vector_load %arg8[%get3A_525, %get3A_526] {strides = array<i32>} : memref<64x512xf32, #tpu.memory_space<vmem>>, vector<1x16xf32>,
      %get3A_528 = vector.shape_cast %get3A_527 : vector<1x16xf32> to vector<16xf32>
      %add3A_529 = arith.addf %get3A_524, %get3A_528 : vector<16xf32>
      %mul3A_530 = arith.constant 5.000000e-01 : f32
      %mul3A_531 = vector.broadcast %mul3A_530 : f32 to vector<16xf32>
      %mul3A_532 = arith.mulf %add3A_529, %mul3A_531 : vector<16xf32>
      %swap3A_533 = arith.index_cast %scan3A_12 : i32 to index
      %swap3A_534 = arith.constant 480 : index
      %swap3A_535 = tpu.vector_load %arg7[%swap3A_533, %swap3A_534] {strides = array<i32>} : memref<64x512xf32, #tpu.memory_space<vmem>>, vector<1x16xf32>,
      %swap3A_536 = vector.shape_cast %swap3A_535 : vector<1x16xf32> to vector<16xf32>
      %swap3A_537 = vector.shape_cast %mul3A_532 : vector<16xf32> to vector<1x16xf32>
      tpu.vector_store %arg7[%swap3A_533, %swap3A_534], %swap3A_537 {strides = array<i32>} : memref<64x512xf32, #tpu.memory_space<vmem>>, vector<1x16xf32>,
      %get3A_538 = arith.index_cast %scan3A_12 : i32 to index
      %get3A_539 = arith.constant 496 : index
      %get3A_540 = tpu.vector_load %arg7[%get3A_538, %get3A_539] {strides = array<i32>} : memref<64x512xf32, #tpu.memory_space<vmem>>, vector<1x16xf32>,
      %get3A_541 = vector.shape_cast %get3A_540 : vector<1x16xf32> to vector<16xf32>
      %get3A_542 = arith.index_cast %scan3A_12 : i32 to index
      %get3A_543 = arith.constant 496 : index
      %get3A_544 = tpu.vector_load %arg8[%get3A_542, %get3A_543] {strides = array<i32>} : memref<64x512xf32, #tpu.memory_space<vmem>>, vector<1x16xf32>,
      %get3A_545 = vector.shape_cast %get3A_544 : vector<1x16xf32> to vector<16xf32>
      %add3A_546 = arith.addf %get3A_541, %get3A_545 : vector<16xf32>
      %mul3A_547 = arith.constant 5.000000e-01 : f32
      %mul3A_548 = vector.broadcast %mul3A_547 : f32 to vector<16xf32>
      %mul3A_549 = arith.mulf %add3A_546, %mul3A_548 : vector<16xf32>
      %swap3A_550 = arith.index_cast %scan3A_12 : i32 to index
      %swap3A_551 = arith.constant 496 : index
      %swap3A_552 = tpu.vector_load %arg7[%swap3A_550, %swap3A_551] {strides = array<i32>} : memref<64x512xf32, #tpu.memory_space<vmem>>, vector<1x16xf32>,
      %swap3A_553 = vector.shape_cast %swap3A_552 : vector<1x16xf32> to vector<16xf32>
      %swap3A_554 = vector.shape_cast %mul3A_549 : vector<16xf32> to vector<1x16xf32>
      tpu.vector_store %arg7[%swap3A_550, %swap3A_551], %swap3A_554 {strides = array<i32>} : memref<64x512xf32, #tpu.memory_space<vmem>>, vector<1x16xf32>,
    }
    %scan3A_11 = arith.constant 64 : i32
    "tpu.region"() ({
      %run_scoped3A = tpu.sem_alloc : memref<!tpu.dma_semaphore, #tpu.memory_space<semaphore_mem>>
      %dma_start3A_12 = arith.constant 0 : i32
      %dma_start3A_13 = tpu.memref_slice %arg5[%mul3A_2, %dma_start3A_12] : memref<2048x512xf32, #tpu.memory_space<hbm>> -> memref<64x512xf32, #tpu.memory_space<hbm>>
      %dma_start3A_14 = arith.constant 0 : i32
      %dma_start3A_15 = tpu.memref_slice %arg5[%mul3A_2, %dma_start3A_14] : memref<2048x512xf32, #tpu.memory_space<hbm>> -> memref<64x512xf32, #tpu.memory_space<hbm>>
      tpu.enqueue_dma source(%arg7 : memref<64x512xf32, #tpu.memory_space<vmem>>) target(%dma_start3A_15 : memref<64x512xf32, #tpu.memory_space<hbm>>) target_semaphore(%run_scoped3A : memref<!tpu.dma_semaphore, #tpu.memory_space<semaphore_mem>>)
      %dma_wait3A_16 = arith.constant 0 : i32
      %dma_wait3A_17 = tpu.memref_slice %arg5[%mul3A_2, %dma_wait3A_16] : memref<2048x512xf32, #tpu.memory_space<hbm>> -> memref<64x512xf32, #tpu.memory_space<hbm>>
      %dma_wait3A_18 = arith.constant 0 : i32
      %dma_wait3A_19 = tpu.memref_slice %arg5[%mul3A_2, %dma_wait3A_18] : memref<2048x512xf32, #tpu.memory_space<hbm>> -> memref<64x512xf32, #tpu.memory_space<hbm>>
      tpu.wait_dma2 semaphore(%run_scoped3A : memref<!tpu.dma_semaphore, #tpu.memory_space<semaphore_mem>>) src(%arg7 : memref<64x512xf32, #tpu.memory_space<vmem>>) dst(%dma_wait3A_19 : memref<64x512xf32, #tpu.memory_space<hbm>>)
      tpu.yield
    }) : () -> ()
    return
  }
}

module attributes {stable_mosaic.version = 14 : i64} {
  func.func @body(%arg0: i32, %arg1: i32, %arg2: memref<1x1024x512xf32, #tpu.memory_space<vmem>>, %arg3: memref<1x1536x512xf32, #tpu.memory_space<vmem>>, %arg4: memref<1x1x1024xi32, #tpu.memory_space<vmem>>, %arg5: memref<1x1024xf32, #tpu.memory_space<vmem>>, %arg6: memref<1x1024xi32, #tpu.memory_space<vmem>>) attributes {dimension_semantics = [#tpu.dimension_semantics<arbitrary>, #tpu.dimension_semantics<arbitrary>], iteration_bounds = array<i64: 2, 2>, scalar_prefetch = 0 : i64, scratch_operands = 2 : i64, tpu.core_type = #tpu.core_type<tc>, window_params = [{transform_indices = @transform_0, window_bounds = array<i64: 1, 1024, 512>}, {transform_indices = @transform_1, window_bounds = array<i64: 1, 1536, 512>}, {transform_indices = @transform_2, window_bounds = array<i64: 1, 1, 1024>}]} {
    %get3A = arith.constant 0 : index
    %get3A_0 = arith.constant 0 : index
    %get3A_1 = arith.constant 0 : index
    %get3A_2 = vector.load %arg3[%get3A, %get3A_0, %get3A_1] : memref<1x1536x512xf32, #tpu.memory_space<vmem>>, vector<1x1536x512xf32>
    %get3A_3 = vector.shape_cast %get3A_2 : vector<1x1536x512xf32> to vector<1536x512xf32>
    %mul3A = arith.mulf %get3A_3, %get3A_3 : vector<1536x512xf32>
    %reduce_sum3A = arith.constant dense<0.000000e+00> : vector<1536xf32>
    %reduce_sum3A_4 = vector.multi_reduction <add>, %mul3A, %reduce_sum3A [1] : vector<1536x512xf32> to vector<1536xf32>
    %broadcast_in_dim3A = vector.shape_cast %reduce_sum3A_4 : vector<1536xf32> to vector<1536x1xf32>
    %sqrt3A = math.sqrt %broadcast_in_dim3A : vector<1536x1xf32>
    %add3A = arith.constant 9.99999993E-9 : f32
    %add3A_5 = vector.broadcast %add3A : f32 to vector<1536x1xf32>
    %add3A_6 = arith.addf %sqrt3A, %add3A_5 : vector<1536x1xf32>
    %div3A = vector.broadcast %add3A_6 : vector<1536x1xf32> to vector<1536x512xf32>
    %div3A_7 = arith.divf %get3A_3, %div3A : vector<1536x512xf32>
    %get3A_8 = arith.constant 0 : index
    %get3A_9 = arith.constant 0 : index
    %get3A_10 = arith.constant 0 : index
    %get3A_11 = vector.load %arg2[%get3A_8, %get3A_9, %get3A_10] : memref<1x1024x512xf32, #tpu.memory_space<vmem>>, vector<1x1024x512xf32>
    %get3A_12 = vector.shape_cast %get3A_11 : vector<1x1024x512xf32> to vector<1024x512xf32>
    %mul3A_13 = arith.mulf %get3A_12, %get3A_12 : vector<1024x512xf32>
    %reduce_sum3A_14 = arith.constant dense<0.000000e+00> : vector<1024xf32>
    %reduce_sum3A_15 = vector.multi_reduction <add>, %mul3A_13, %reduce_sum3A_14 [1] : vector<1024x512xf32> to vector<1024xf32>
    %broadcast_in_dim3A_16 = vector.shape_cast %reduce_sum3A_15 : vector<1024xf32> to vector<1024x1xf32>
    %sqrt3A_17 = math.sqrt %broadcast_in_dim3A_16 : vector<1024x1xf32>
    %add3A_18 = arith.constant 9.99999993E-9 : f32
    %add3A_19 = vector.broadcast %add3A_18 : f32 to vector<1024x1xf32>
    %add3A_20 = arith.addf %sqrt3A_17, %add3A_19 : vector<1024x1xf32>
    %div3A_21 = vector.broadcast %add3A_20 : vector<1024x1xf32> to vector<1024x512xf32>
    %div3A_22 = arith.divf %get3A_12, %div3A_21 : vector<1024x512xf32>
    %convert_element_type3A = arith.truncf %div3A_22 : vector<1024x512xf32> to vector<1024x512xbf16>
    %convert_element_type3A_23 = arith.truncf %div3A_7 : vector<1536x512xf32> to vector<1536x512xbf16>
    %dot_general3A = arith.constant dense<0.000000e+00> : vector<1024x1536xf32>
    %dot_general3A_24 = tpu.matmul %convert_element_type3A, %convert_element_type3A_23, %dot_general3A {dimension_numbers = #tpu.dot_dimension_numbers<[1], [1], [0], [0], [0, 0, 1, 0], [], []>, transpose_lhs_hint = false} : vector<1024x512xbf16>, vector<1536x512xbf16>, vector<1024x1536xf32> -> vector<1024x1536xf32>
    %reduce_max3A = arith.constant dense<0xFF800000> : vector<1024xf32>
    %reduce_max3A_25 = vector.multi_reduction <maximumf>, %dot_general3A_24, %reduce_max3A [1] : vector<1024x1536xf32> to vector<1024xf32>
    %argmax3A = tpu.reduce_index %dot_general3A_24 {axis = 1 : i32, kind = #tpu.reduction_kind<arg_max>} : vector<1024x1536xf32> -> vector<1024xi32>
    %mul3A_26 = arith.constant 1536 : i32
    %mul3A_27 = arith.muli %arg1, %mul3A_26 : i32
    %add3A_28 = vector.broadcast %mul3A_27 : i32 to vector<1024xi32>
    %add3A_29 = arith.addi %argmax3A, %add3A_28 : vector<1024xi32>
    %eq3A = arith.constant 0 : i32
    %eq3A_30 = arith.cmpi eq, %arg1, %eq3A : i32
    %convert_element_type3A_31 = arith.extui %eq3A_30 : i1 to i32
    %cond3A = arith.constant 0 : i32
    %cond3A_32 = arith.cmpi ne, %convert_element_type3A_31, %cond3A : i32
    scf.if %cond3A_32 {
      %swap3A = arith.constant 0 : index
      %swap3A_42 = arith.constant 0 : index
      %swap3A_43 = vector.load %arg5[%swap3A, %swap3A_42] : memref<1x1024xf32, #tpu.memory_space<vmem>>, vector<1x1024xf32>
      %swap3A_44 = vector.shape_cast %swap3A_43 : vector<1x1024xf32> to vector<1024xf32>
      %swap3A_45 = vector.shape_cast %reduce_max3A_25 : vector<1024xf32> to vector<1x1024xf32>
      tpu.vector_store %arg5[%swap3A, %swap3A_42], %swap3A_45 {strides = array<i32>} : memref<1x1024xf32, #tpu.memory_space<vmem>>, vector<1x1024xf32>,
      %swap3A_46 = arith.constant 0 : index
      %swap3A_47 = arith.constant 0 : index
      %swap3A_48 = vector.load %arg6[%swap3A_46, %swap3A_47] : memref<1x1024xi32, #tpu.memory_space<vmem>>, vector<1x1024xi32>
      %swap3A_49 = vector.shape_cast %swap3A_48 : vector<1x1024xi32> to vector<1024xi32>
      %swap3A_50 = vector.shape_cast %add3A_29 : vector<1024xi32> to vector<1x1024xi32>
      tpu.vector_store %arg6[%swap3A_46, %swap3A_47], %swap3A_50 {strides = array<i32>} : memref<1x1024xi32, #tpu.memory_space<vmem>>, vector<1x1024xi32>,
    } else {
    }
    %gt3A = arith.constant 0 : i32
    %gt3A_33 = arith.cmpi sgt, %arg1, %gt3A : i32
    %convert_element_type3A_34 = arith.extui %gt3A_33 : i1 to i32
    %cond3A_35 = arith.constant 0 : i32
    %cond3A_36 = arith.cmpi ne, %convert_element_type3A_34, %cond3A_35 : i32
    scf.if %cond3A_36 {
      %get3A_42 = arith.constant 0 : index
      %get3A_43 = arith.constant 0 : index
      %get3A_44 = vector.load %arg5[%get3A_42, %get3A_43] : memref<1x1024xf32, #tpu.memory_space<vmem>>, vector<1x1024xf32>
      %get3A_45 = vector.shape_cast %get3A_44 : vector<1x1024xf32> to vector<1024xf32>
      %gt3A_46 = arith.cmpf ogt, %reduce_max3A_25, %get3A_45 : vector<1024xf32>
      %get3A_47 = arith.constant 0 : index
      %get3A_48 = arith.constant 0 : index
      %get3A_49 = vector.load %arg6[%get3A_47, %get3A_48] : memref<1x1024xi32, #tpu.memory_space<vmem>>, vector<1x1024xi32>
      %get3A_50 = vector.shape_cast %get3A_49 : vector<1x1024xi32> to vector<1024xi32>
      %select_n3A = arith.select %gt3A_46, %add3A_29, %get3A_50 : vector<1024xi1>, vector<1024xi32>
      %swap3A = arith.constant 0 : index
      %swap3A_51 = arith.constant 0 : index
      %swap3A_52 = vector.load %arg6[%swap3A, %swap3A_51] : memref<1x1024xi32, #tpu.memory_space<vmem>>, vector<1x1024xi32>
      %swap3A_53 = vector.shape_cast %swap3A_52 : vector<1x1024xi32> to vector<1024xi32>
      %swap3A_54 = vector.shape_cast %select_n3A : vector<1024xi32> to vector<1x1024xi32>
      tpu.vector_store %arg6[%swap3A, %swap3A_51], %swap3A_54 {strides = array<i32>} : memref<1x1024xi32, #tpu.memory_space<vmem>>, vector<1x1024xi32>,
      %get3A_55 = arith.constant 0 : index
      %get3A_56 = arith.constant 0 : index
      %get3A_57 = vector.load %arg5[%get3A_55, %get3A_56] : memref<1x1024xf32, #tpu.memory_space<vmem>>, vector<1x1024xf32>
      %get3A_58 = vector.shape_cast %get3A_57 : vector<1x1024xf32> to vector<1024xf32>
      %select_n3A_59 = arith.select %gt3A_46, %reduce_max3A_25, %get3A_58 : vector<1024xi1>, vector<1024xf32>
      %swap3A_60 = arith.constant 0 : index
      %swap3A_61 = arith.constant 0 : index
      %swap3A_62 = vector.load %arg5[%swap3A_60, %swap3A_61] : memref<1x1024xf32, #tpu.memory_space<vmem>>, vector<1x1024xf32>
      %swap3A_63 = vector.shape_cast %swap3A_62 : vector<1x1024xf32> to vector<1024xf32>
      %swap3A_64 = vector.shape_cast %select_n3A_59 : vector<1024xf32> to vector<1x1024xf32>
      tpu.vector_store %arg5[%swap3A_60, %swap3A_61], %swap3A_64 {strides = array<i32>} : memref<1x1024xf32, #tpu.memory_space<vmem>>, vector<1x1024xf32>,
    } else {
    }
    %eq3A_37 = arith.constant 1 : i32
    %eq3A_38 = arith.cmpi eq, %arg1, %eq3A_37 : i32
    %convert_element_type3A_39 = arith.extui %eq3A_38 : i1 to i32
    %cond3A_40 = arith.constant 0 : i32
    %cond3A_41 = arith.cmpi ne, %convert_element_type3A_39, %cond3A_40 : i32
    scf.if %cond3A_41 {
      %get3A_42 = arith.constant 0 : index
      %get3A_43 = arith.constant 0 : index
      %get3A_44 = vector.load %arg6[%get3A_42, %get3A_43] : memref<1x1024xi32, #tpu.memory_space<vmem>>, vector<1x1024xi32>
      %get3A_45 = vector.shape_cast %get3A_44 : vector<1x1024xi32> to vector<1024xi32>
      %mul3A_46 = arith.constant 3072 : i32
      %mul3A_47 = arith.muli %arg0, %mul3A_46 : i32
      %add3A_48 = vector.broadcast %mul3A_47 : i32 to vector<1024xi32>
      %add3A_49 = arith.addi %get3A_45, %add3A_48 : vector<1024xi32>
      %swap3A = arith.constant 0 : index
      %swap3A_50 = arith.constant 0 : index
      %swap3A_51 = arith.constant 0 : index
      %swap3A_52 = vector.load %arg4[%swap3A, %swap3A_50, %swap3A_51] : memref<1x1x1024xi32, #tpu.memory_space<vmem>>, vector<1x1x1024xi32>
      %swap3A_53 = vector.shape_cast %swap3A_52 : vector<1x1x1024xi32> to vector<1024xi32>
      %swap3A_54 = vector.shape_cast %add3A_49 : vector<1024xi32> to vector<1x1x1024xi32>
      tpu.vector_store %arg4[%swap3A, %swap3A_50, %swap3A_51], %swap3A_54 {strides = array<i32>} : memref<1x1x1024xi32, #tpu.memory_space<vmem>>, vector<1x1x1024xi32>,
    } else {
    }
    return
  }
  func.func @transform_0(%arg0: i32, %arg1: i32) -> (i32, i32, i32) {
    %c0_i32 = arith.constant 0 : i32
    %c0_i32_0 = arith.constant 0 : i32
    %c0_i32_1 = arith.constant 0 : i32
    return %arg0, %c0_i32, %c0_i32_0 : i32, i32, i32
  }
  func.func @transform_1(%arg0: i32, %arg1: i32) -> (i32, i32, i32) {
    %c0_i32 = arith.constant 0 : i32
    %c0_i32_0 = arith.constant 0 : i32
    return %arg0, %arg1, %c0_i32 : i32, i32, i32
  }
  func.func @transform_2(%arg0: i32, %arg1: i32) -> (i32, i32, i32) {
    %c0_i32 = arith.constant 0 : i32
    %c0_i32_0 = arith.constant 0 : i32
    %c0_i32_1 = arith.constant 0 : i32
    return %arg0, %c0_i32, %c0_i32_0 : i32, i32, i32
  }
}

</mosaic_0001>

<sc_bundles>
// kernel: kernel.4.cloned.1.call-start
scs
__scs_entry_jumppad:
0x0: {  	(pc) =	sbr.rel $0x88, $3  }
0x1: {  	(tag) =	ssettag $0x0;
	lr =	simm.s32 $0x1  }
0x2: {  	[smem:$0x3FA0] =	sst lr;
	_ =	strace $0xD0000000  }
0x3: {  	_ = 	snop  }
0x4: {  	_ = 	snop  }
0x5: {  	_ = 	snop  }
0x6: {  	_ = 	snop  }
0x7: {  	_ = 	snop  }
__scs_overlays_trampoline_lowered:
0x8: {  	[smem:$0x3FAF] =	sst s0  }
0x9: {  	[smem:$0x3FB0] =	sst s1  }
0xa: {  	[smem:$0x3FB1] =	sst s2  }
0xb: {  	[smem:$0x3FB2] =	sst s3  }
0xc: {  	[smem:$0x3FB3] =	sst s4  }
0xd: {  	[smem:$0x3FB4] =	sst s5  }
0xe: {  	[smem:$0x3FB5] =	sst s6  }
0xf: {  	[smem:$0x3FB6] =	sst s7  }
0x10: {  	[smem:$0x3FB7] =	sst s8  }
0x11: {  	[smem:$0x3FB8] =	sst s9;
	s0 =	simm.s32 @!p0 $0x0  }
0x12: {  	s1 =	sld [smem:$0x3F9E];
	s0 =	simm.s32 @p0 $0x1  }
0x13: {  	[smem:$0x3FB9] =	sst s0;
	s0 =	simm.s32 @!p1 $0x0  }
0x14: {  	s2 =	sld [smem:$0x3F9D];
	s0 =	simm.s32 @p1 $0x1  }
0x15: {  	[smem:$0x3FBA] =	sst s0;
	s0 =	simm.s32 @!p2 $0x0  }
0x16: {  	s3 =	sld [smem:$0x3FDB];
	s0 =	simm.s32 @p2 $0x1  }
0x17: {  	s4 =	simm.s32 $0x1BF5;
	[smem:$0x3FBC] =	sst s0  }
0x18: {  	s0 =	sld [smem:$0x3F9F];
	_ =	swait.ge [sflag:s4], $0x0  }
0x19: {  	s7 =	sld [smem:$0x3FA0]  }
0x1a: {  	s8 =	sadd.s32 $0xFFFFE003, lr  }
0x1b: {  	s9 =	sadd.s32 $0xFFFFFEF7, lr;
	s5 =	simm.s32 $0xFFFFFFFF;
	p2 =	slt.u32 s8, $0xFFFFF086  }
0x1c: {  	p1 =	slt.u32 s9, $0xF7A;
	s5 =	simm.s32 @!p2 $0x0  }
0x1d: {  	s5 =	simm.s32 @p1 $0x1;
	p0 =	seq.s32 s7, s2  }
0x1e: {  	s7 =	smul.u32 @!p0 $0xF7A, s2;
	p2 =	seq.s32 @!p0 s5, $0x0  }
0x1f: {  	s9 =	smul.u32 $0xF7A, s1;
	s8 =	simm.s32 @!p0 $0x1BF5;
	p2 =	por !p2, p0  }
0x20: {  	[sflag:s8] =	ssyncset.s32 @!p0 $0xFFFFF086;
	s6 =	sadd.s32 @!p0 s3, s7;
	s7 =	simm.s32 @!p0 $0x108  }
0x21: {  	s3 =	sadd.s32 s3, s9;
	s6 =	sadd.s32 @!p0 $0x88, s6;
	s7 =	simm.s32 @p2 $0x1082  }
0x22: {  	[simem:s7], [sflag:s8] =	dma.local @!p0 [hbm:s6], $0xF7A  }
0x23: {  	s9 =	sor.u32 $0xD0000000, s2;
	s6 =	simm.s32 $0x108;
	_ =	swait.ge @!p0 [sflag:s8], $0x0  }
0x24: {  	s3 =	sadd.s32 $0x88, s3;
	s6 =	simm.s32 @!p1 $0x1082;
	[sflag:s4] =	ssyncset.s32 $0xFFFFF086  }
0x25: {  	[simem:s6], [sflag:s4] =	dma.local [hbm:s3], $0xF7A  }
0x26: {  	[smem:$0x3FA0] =	sst s1;
	(tag) =	ssettag s2;
	_ =	strace s9  }
0x27: {  	s1 =	sld [smem:$0x3FB0]  }
0x28: {  	s2 =	sld [smem:$0x3FB1]  }
0x29: {  	s4 =	sld [smem:$0x3FB3]  }
0x2a: {  	p0 =	seq.s32 s5, $0x0;
	s5 =	sld [smem:$0x3FB4]  }
0x2b: {  	s6 =	sld [smem:$0x3FB5]  }
0x2c: {  	s7 =	sld [smem:$0x3FB6]  }
0x2d: {  	s3 =	simm.s32 $0x108;
	s8 =	sld [smem:$0x3FB7]  }
0x2e: {  	s3 =	simm.s32 @!p0 $0x1082;
	s9 =	sld [smem:$0x3FB8]  }
0x2f: {  	lr =	sadd.s32 s0, s3;
	s0 =	sld [smem:$0x3FAF]  }
0x30: {  	s3 =	sld [smem:$0x3FB2]  }
0x31: {  	[smem:$0x3FBB] =	sst s10  }
0x32: {  	s10 =	sld [smem:$0x3FB9];
	_ =	sdelay $0x3  }
0x33: {  	p0 =	seq.s32 s10, $0x1;
	s10 =	sld [smem:$0x3FBB];
	_ =	sdelay $0x3  }
0x34: {  	[smem:$0x3FBB] =	sst s10  }
0x35: {  	s10 =	sld [smem:$0x3FBA];
	_ =	sdelay $0x3  }
0x36: {  	p1 =	seq.s32 s10, $0x1;
	s10 =	sld [smem:$0x3FBB];
	_ =	sdelay $0x3  }
0x37: {  	[smem:$0x3FBB] =	sst s10  }
0x38: {  	s10 =	sld [smem:$0x3FBC]  }
0x39: {  	_ = 	snop;
	(pc) =	sbr.ind lr, $3  }
0x3a: {  	_ = 	snop  }
0x3b: {  	_ = 	snop  }
0x3c: {  	p2 =	seq.s32 s10, $0x1;
	s10 =	sld [smem:$0x3FBB]  }
0x3d: {  	_ =	shalt  }
0x3e: {  	_ =	shalt  }
0x3f: {  	_ =	shalt  }
0x40: {  	_ =	shalt  }
0x41: {  	_ =	shalt  }
0x42: {  	_ =	shalt  }
0x43: {  	_ =	shalt  }
0x44: {  	_ =	shalt  }
0x45: {  	_ =	shalt  }
0x46: {  	_ =	shalt  }
0x47: {  	_ =	shalt  }
0x48: {  	_ =	shalt  }
0x49: {  	_ =	shalt  }
0x4a: {  	_ =	shalt  }
0x4b: {  	_ =	shalt  }
0x4c: {  	_ =	shalt  }
0x4d: {  	_ =	shalt  }
0x4e: {  	_ =	shalt  }
0x4f: {  	_ =	shalt  }
0x50: {  	_ =	shalt  }
0x51: {  	_ =	shalt  }
0x52: {  	_ =	shalt  }
0x53: {  	_ =	shalt  }
0x54: {  	_ =	shalt  }
0x55: {  	_ =	shalt  }
0x56: {  	_ =	shalt  }
0x57: {  	_ =	shalt  }
0x58: {  	_ =	shalt  }
0x59: {  	_ =	shalt  }
0x5a: {  	_ =	shalt  }
0x5b: {  	_ =	shalt  }
0x5c: {  	_ =	shalt  }
0x5d: {  	_ =	shalt  }
0x5e: {  	_ =	shalt  }
0x5f: {  	_ =	shalt  }
0x60: {  	_ =	shalt  }
0x61: {  	_ =	shalt  }
0x62: {  	_ =	shalt  }
0x63: {  	_ =	shalt  }
0x64: {  	_ =	shalt  }
0x65: {  	_ =	shalt  }
0x66: {  	_ =	shalt  }
0x67: {  	_ =	shalt  }
0x68: {  	_ =	shalt  }
0x69: {  	_ =	shalt  }
0x6a: {  	_ =	shalt  }
0x6b: {  	_ =	shalt  }
0x6c: {  	_ =	shalt  }
0x6d: {  	_ =	shalt  }
0x6e: {  	_ =	shalt  }
0x6f: {  	_ =	shalt  }
0x70: {  	_ =	shalt  }
0x71: {  	_ =	shalt  }
0x72: {  	_ =	shalt  }
0x73: {  	_ =	shalt  }
0x74: {  	_ =	shalt  }
0x75: {  	_ =	shalt  }
0x76: {  	_ =	shalt  }
0x77: {  	_ =	shalt  }
0x78: {  	_ =	shalt  }
0x79: {  	_ =	shalt  }
0x7a: {  	_ =	shalt  }
0x7b: {  	_ =	shalt  }
0x7c: {  	_ =	shalt  }
0x7d: {  	_ =	shalt  }
0x7e: {  	_ =	shalt  }
0x7f: {  	_ =	shalt  }
0x80: {  	_ =	shalt  }
0x81: {  	_ =	shalt  }
0x82: {  	_ =	shalt  }
0x83: {  	_ =	shalt  }
0x84: {  	_ =	shalt  }
0x85: {  	_ =	shalt  }
0x86: {  	_ =	shalt  }
0x87: {  	_ =	shalt  }
.Lfunc_end0:
.L_simem_size_0:
called_computation_lowered:
.L_overlay_start_0:
0x88: {  	s2 =	sld [smem:$0x3FD9]  }
0x89: {  	s3 =	sld [smem:$0x3FFE];
	_ =	sdelay $0x1  }
0x8a: {  	s1 =	srdreg.scid  }
0x8b: {  	s0 =	sand.u32 $0x1, s1  }
0x8c: {  	s16 =	sshll.u32 s0, $0xA;
	s2 =	sadd.s32 s3, s2  }
0x8d: {  	s2 =	sadd.s32 s2, s16  }
0x8e: {  	[smem:$0x3FC7] =	sst s2  }
0x8f: {  	_ = 	snop  }
0x90: {  	(tm) =	ssettm $0x1  }
0x91: {  	s17 =	sld [smem:$0x3FFB];
	_ =	sdelay $0x3  }
0x92: {  	_ =	strace s17  }
0x93: {  	s2 =	sld [smem:$0x3FFC];
	_ =	sdelay $0x3  }
0x94: {  	_ =	strace s2  }
0x95: {  	s2 =	sld [smem:$0x3FFD];
	_ =	sdelay $0x3  }
0x96: {  	_ =	strace s2  }
0x97: {  	_ =	strace $0x8FFFFFFF  }
0x98: {  	s18 =	sld [smem:$0x3FDB];
	_ =	sdelay $0x1  }
0x99: {  	s19 =	simm.s32 $_scs_section_size  }
0x9a: {  	s4 =	simm.s32 $_size__tile_overlayer_lowered;
	s5 =	simm.s32 $_tile_overlayer_lowered  }
0x9b: {  	s22 =	simm.s32 $0x1BFF;
	s21 =	sshll.u32 s5, $0x1;
	s2 =	sadd.s32 s19, s18  }
0x9c: {  	s6 =	simm.s32 $0x0;
	s20 =	sshll.u32 s4, $0x1;
	s4 =	sadd.s32 s21, s2  }
0x9d: {  	[timem:s6], [sflag:s22] =	dma.local [hbm:s4], s20  }
0x9e: {  	_ =	swait.ge [sflag:s22], s20  }
0x9f: {  	s3 =	ssub.s32 $0x0, s20;
	[sflag:s22] =	ssyncset.done $0x0  }
0xa0: {  	[sflag:s22] =	ssyncadd.s32 s3;
	_ =	sdelay $0x1  }
0xa1: {  	s23 =	simm.s32 $0x1B8B  }
0xa2: {  	_ =	swait.ge [sflag:s23], $0x1  }
0xa3: {  	[sflag:s23] =	ssyncset.done $0x0  }
0xa4: {  	s25 =	simm.s32 $0x1B8E;
	s24 =	sld [smem:$0x3FFE];
	[sflag:s23] =	ssyncadd.s32 $0xFFFFFFFF  }
0xa5: {  	s26 =	simm.s32 $execute0_lowered;
	[smem:$0x3FD2] =	sst s25  }
0xa6: {  	s4 =	sshll.u32 s26, $0x1;
	_ =	strace $0x80000046;
	[dreg:$0x1] =	wrdreg $0xFFFFFFFF  }
0xa7: {  	s28 =	simm.s32 $_size_execute0_lowered;
	s2 =	sadd.s32 s2, s4;
	[dreg:$0x0] =	wrdreg $0x0  }
0xa8: {  	s4 =	sshll.u32 s28, $0x1;
	[dreg:$0x2] =	wrdreg s2  }
0xa9: {  	[dreg:$0x3] =	wrdreg s4  }
0xaa: {  	[dreg:$0x4] =	wrdreg $0xC0  }
0xab: {  	_ =	task [dreg:s6], $0x5FFFF  }
0xac: {  	[dreg:$0x1] =	wrdreg $0xFFFFFFFF  }
0xad: {  	[dreg:$0x0] =	wrdreg $0x60  }
0xae: {  	[dreg:$0x2] =	wrdreg s24  }
0xaf: {  	[dreg:$0x3] =	wrdreg $0x9  }
0xb0: {  	_ =	task.clear_ibuf [dreg:s6], $0x4FFFF;
	_ =	strace $0x90000046  }
0xb1: {  	s29 =	simm.s32 $0x9;
	_ =	strace $0x80000048  }
0xb2: {  	_ =	swait.ge [sflag:s29], $0x1  }
0xb3: {  	[sflag:s29] =	ssyncadd.s32 $0xFFFFFFFF  }
0xb4: {  	_ =	strace $0x90000048  }
0xb5: {  	_ =	sfence  }
0xb6: {  	s30 =	sld [smem:$0x0];
	_ =	sdelay $0x2  }
0xb7: {  	s31 =	sshll.u32 s1, $0xD;
	s1 =	sshrl.u32 s1, $0x2  }
0xb8: {  	s3 =	sand.u32 $0x4000, s31;
	s1 =	sadd.s32 s1, s30  }
0xb9: {  	s0 =	sor.u32 s3, s0;
	s1 =	sshll.u32 s1, $0x11  }
0xba: {  	s0 =	sor.u32 s1, s0  }
0xbb: {  	s0 =	sadd.s32 $0x8F2B, s0  }
0xbc: {  	[sflag:s0] =	ssyncadd.remote.s32 $0x1  }
0xbd: {  	_ =	sfence.sel $0xFFFF  }
0xbe: {  	[dreg:$0x0] =	wrdreg $0xFFFFFFFF;
	(pc) =	sbr.abs _section_cstart, $3  }
0xbf: {  	[dreg:$0x1] =	wrdreg $0xFFFFFFFF  }
0xc0: {  	_ =	task.clear_ibuf [dreg:s6], $0x2FFFF;
	_ =	strace $0x9FFFFFFF  }
0xc1: {  	(tm) =	ssettm $0x7FFFFFFF  }
tec
execute0_lowered:
.L_overlay_start_1:
0x0: {  	(tag) =	ssettag $0x1  }
0x1: {  	s0 =	rddreg [dreg:$0x0];
	s3 =	srdreg.scid;
	s2 =	simm.s32 $0x0  }
0x2: {  	s1 =	stileid.u32;
	s10 =	simm.s32 $0x80;
	s12 =	simm.s32 $0x1080  }
0x3: {  	s13 =	simm.s32 $0x1880;
	s14 =	simm.s32 $0x2080;
	s15 =	simm.s32 $0x2880  }
0x4: {  	s16 =	simm.s32 $0x3080;
	s17 =	simm.s32 $0x3880;
	s18 =	simm.s32 $0x4080  }
0x5: {  	s19 =	simm.s32 $0x4880;
	s20 =	simm.s32 $0x5080;
	s21 =	simm.s32 $0x5880  }
0x6: {  	s22 =	simm.s32 $0x6080;
	s23 =	simm.s32 $0x6880;
	s24 =	simm.s32 $0x7080  }
0x7: {  	s25 =	simm.s32 $0x7880;
	s26 =	simm.s32 $0x8080;
	s28 =	simm.s32 $0x1  }
0x8: {  	s29 =	simm.s32 $0x0;
	s4 =	sand.u32 $0x1, s3;
	[smem:$0x7FF] =	sst s2  }
0x9: {  	s31 =	sshll.u32 s1, $0x7;
	s3 =	sadd.s32 $0x21000, s0;
	s5 =	sshll.u32 s4, $0x6  }
0xa: {  	_ =	strace $0x80000047;
	s4 =	ssub.s32 $0x2, s4;
	s5 =	sor.u32 s5, s31  }
0xb: {  	s7 =	sshrl.u32 s4, $0x1;
	s6 =	sshrl.u32 s5, $0x3;
	s5 =	sshll.u32 s5, $0x6  }
0xc: {  	v2 =	vlaneseq.u32;
	s9 =	ssub.s32 s4, s7;
	s6 =	sadd.s32 s6, s0;
	s8 =	sadd.s32 s5, s0  }
0xd: {  	vm0 =	vmmov $0xffff;
	v1 =	vshrl.u32 v2, $0x3;
	s5 =	sadd.s32 $0x21100, s0;
	s4 =	sadd.s32 $0x81000, s6;
	s6 =	sadd.s32 $0x1000, s8  }
0xe: {  	v0 =	vand.u32 $0x7, v2;
	v2 =	vor.u32 $0x8, v2;
	v1 =	vmul.u32 $0x8, v1;
	s7 =	sadd.s32 $0x81200, s8;
	s8 =	smax.u32 s9, $0x1;
	s9 =	simm.s32 $0x2  }
.LBB2_1:
0xf: {  	[tilespmem:s2], [sflag:$0x2] =	stream.linear.gather [hbm4b:s4+s2], $0x40, $0x38;
	[tilespmem:$0x10080] =	vst v63  }
0x10: {  	_ =	swait.ge [sflag:s9], $0x40  }
0x11: {  	[sflag:s9] =	ssyncset.done $0x0  }
0x12: {  	[sflag:s9] =	ssyncadd.s32 $0xFFFFFFC0  }
0x13: {  	v3 =	vld [tilespmem:$0x0];
	_ =	sdelay $0x4  }
0x14: {  	v4 =	vshll.u32 v3, $0x2  }
0x15: {  	v3 =	vand.u32 $0x7, v3;
	v4 =	vand.u32 $0xFFFFFFE0, v4  }
0x16: {  	v3 =	vor.u32 v3, v4  }
0x17: {  	v4 =	vperm.xlane v3, v0;
	_ =	sdelay $0x1  }
0x18: {  	v4 =	vadd.s32 v1, v4;
	_ =	sdelay $0x1  }
0x19: {  	v3 =	vperm.xlane v3, v2;
	_ =	sdelay $0x1  }
0x1a: {  	v3 =	vadd.s32 v1, v3  }
0x1b: {  	[tilespmem:s10], [sflag:$0x1] =	stream.indirect_vreg.gather [hbm4b:s3+s2], $0x80, v4, vm0, $0xb8;
	[tilespmem:$0x10080] =	vst v63  }
0x1c: {  	s0 =	simm.s32 $0x880  }
0x1d: {  	[tilespmem:s0], [sflag:$0x1] =	stream.indirect_vreg.gather [hbm4b:s5+s2], $0x80, v4, vm0, $0xb8;
	[tilespmem:$0x10080] =	vst v63  }
0x1e: {  	_ = 	snop  }
0x1f: {  	[tilespmem:s12], [sflag:$0x1] =	stream.indirect_vreg.gather [hbm4b:s3+s2], $0x80, v3, vm0, $0xb8;
	[tilespmem:$0x10080] =	vst v63  }
0x20: {  	_ = 	snop  }
0x21: {  	[tilespmem:s13], [sflag:$0x1] =	stream.indirect_vreg.gather [hbm4b:s5+s2], $0x80, v3, vm0, $0xb8;
	[tilespmem:$0x10080] =	vst v63  }
0x22: {  	v3 =	vld [tilespmem:$0x10];
	_ =	sdelay $0x4  }
0x23: {  	v4 =	vshll.u32 v3, $0x2  }
0x24: {  	v3 =	vand.u32 $0x7, v3;
	v4 =	vand.u32 $0xFFFFFFE0, v4  }
0x25: {  	v3 =	vor.u32 v3, v4  }
0x26: {  	v4 =	vperm.xlane v3, v0;
	_ =	sdelay $0x1  }
0x27: {  	v4 =	vadd.s32 v1, v4;
	_ =	sdelay $0x1  }
0x28: {  	v3 =	vperm.xlane v3, v2;
	_ =	sdelay $0x1  }
0x29: {  	v3 =	vadd.s32 v1, v3  }
0x2a: {  	[tilespmem:s14], [sflag:$0x1] =	stream.indirect_vreg.gather [hbm4b:s3+s2], $0x80, v4, vm0, $0xb8;
	[tilespmem:$0x10080] =	vst v63  }
0x2b: {  	_ = 	snop  }
0x2c: {  	[tilespmem:s15], [sflag:$0x1] =	stream.indirect_vreg.gather [hbm4b:s5+s2], $0x80, v4, vm0, $0xb8;
	[tilespmem:$0x10080] =	vst v63  }
0x2d: {  	_ = 	snop  }
0x2e: {  	[tilespmem:s16], [sflag:$0x1] =	stream.indirect_vreg.gather [hbm4b:s3+s2], $0x80, v3, vm0, $0xb8;
	[tilespmem:$0x10080] =	vst v63  }
0x2f: {  	_ = 	snop  }
0x30: {  	[tilespmem:s17], [sflag:$0x1] =	stream.indirect_vreg.gather [hbm4b:s5+s2], $0x80, v3, vm0, $0xb8;
	[tilespmem:$0x10080] =	vst v63  }
0x31: {  	v3 =	vld [tilespmem:$0x20];
	_ =	sdelay $0x4  }
0x32: {  	v4 =	vshll.u32 v3, $0x2  }
0x33: {  	v3 =	vand.u32 $0x7, v3;
	v4 =	vand.u32 $0xFFFFFFE0, v4  }
0x34: {  	v3 =	vor.u32 v3, v4  }
0x35: {  	v4 =	vperm.xlane v3, v0;
	_ =	sdelay $0x1  }
0x36: {  	v4 =	vadd.s32 v1, v4;
	_ =	sdelay $0x1  }
0x37: {  	v3 =	vperm.xlane v3, v2;
	_ =	sdelay $0x1  }
0x38: {  	v3 =	vadd.s32 v1, v3  }
0x39: {  	[tilespmem:s18], [sflag:$0x1] =	stream.indirect_vreg.gather [hbm4b:s3+s2], $0x80, v4, vm0, $0xb8;
	[tilespmem:$0x10080] =	vst v63  }
0x3a: {  	_ = 	snop  }
0x3b: {  	[tilespmem:s19], [sflag:$0x1] =	stream.indirect_vreg.gather [hbm4b:s5+s2], $0x80, v4, vm0, $0xb8;
	[tilespmem:$0x10080] =	vst v63  }
0x3c: {  	_ = 	snop  }
0x3d: {  	[tilespmem:s20], [sflag:$0x1] =	stream.indirect_vreg.gather [hbm4b:s3+s2], $0x80, v3, vm0, $0xb8;
	[tilespmem:$0x10080] =	vst v63  }
0x3e: {  	_ = 	snop  }
0x3f: {  	[tilespmem:s21], [sflag:$0x1] =	stream.indirect_vreg.gather [hbm4b:s5+s2], $0x80, v3, vm0, $0xb8;
	[tilespmem:$0x10080] =	vst v63  }
0x40: {  	v3 =	vld [tilespmem:$0x30];
	_ =	sdelay $0x4  }
0x41: {  	v4 =	vshll.u32 v3, $0x2  }
0x42: {  	v3 =	vand.u32 $0x7, v3;
	v4 =	vand.u32 $0xFFFFFFE0, v4  }
0x43: {  	v3 =	vor.u32 v3, v4  }
0x44: {  	v4 =	vperm.xlane v3, v0;
	_ =	sdelay $0x1  }
0x45: {  	v4 =	vadd.s32 v1, v4;
	_ =	sdelay $0x1  }
0x46: {  	v3 =	vperm.xlane v3, v2;
	_ =	sdelay $0x1  }
0x47: {  	v3 =	vadd.s32 v1, v3  }
0x48: {  	[tilespmem:s22], [sflag:$0x1] =	stream.indirect_vreg.gather [hbm4b:s3+s2], $0x80, v4, vm0, $0xb8;
	[tilespmem:$0x10080] =	vst v63  }
0x49: {  	_ = 	snop  }
0x4a: {  	[tilespmem:s23], [sflag:$0x1] =	stream.indirect_vreg.gather [hbm4b:s5+s2], $0x80, v4, vm0, $0xb8;
	[tilespmem:$0x10080] =	vst v63  }
0x4b: {  	_ = 	snop  }
0x4c: {  	[tilespmem:s24], [sflag:$0x1] =	stream.indirect_vreg.gather [hbm4b:s3+s2], $0x80, v3, vm0, $0xb8;
	[tilespmem:$0x10080] =	vst v63  }
0x4d: {  	_ = 	snop  }
0x4e: {  	[tilespmem:s25], [sflag:$0x1] =	stream.indirect_vreg.gather [hbm4b:s5+s2], $0x80, v3, vm0, $0xb8;
	[tilespmem:$0x10080] =	vst v63  }
0x4f: {  	_ = 	snop  }
0x50: {  	[tilespmem:s26], [sflag:$0x2] =	stream.linear.gather [hbm4b:s6+s2], $0x8000, $0x38;
	[tilespmem:$0x10080] =	vst v63  }
0x51: {  	_ =	swait.ge [sflag:s9], $0x8000  }
0x52: {  	[sflag:s9] =	ssyncset.done $0x0  }
0x53: {  	[sflag:s9] =	ssyncadd.s32 $0xFFFF8000  }
0x54: {  	_ =	swait.ge [sflag:s28], $0x8000  }
0x55: {  	s11 =	sand.u32 $0x7000, s2;
	s30 =	sand.u32 $0x380, s2;
	[sflag:s28] =	ssyncset.done $0x0  }
0x56: {  	s30 =	sor.u32 s30, s11;
	[sflag:s28] =	ssyncadd.s32 $0xFFFF8000  }
0x57: {  	v10 =	vld [tilespmem:s30+$0x8080]  }
0x58: {  	v11 =	vld [tilespmem:s30+$0x8090]  }
0x59: {  	v12 =	vld [tilespmem:s30+$0x80A0]  }
0x5a: {  	v13 =	vld [tilespmem:s30+$0x80B0]  }
0x5b: {  	v14 =	vld [tilespmem:s30+$0x80C0]  }
0x5c: {  	v15 =	vld [tilespmem:s30+$0x80D0]  }
0x5d: {  	v16 =	vld [tilespmem:s30+$0x80E0]  }
0x5e: {  	v17 =	vld [tilespmem:s30+$0x80F0]  }
0x5f: {  	v18 =	vld [tilespmem:s30+$0x8480]  }
0x60: {  	v19 =	vld [tilespmem:s30+$0x8490]  }
0x61: {  	v20 =	vld [tilespmem:s30+$0x84A0]  }
0x62: {  	v21 =	vld [tilespmem:s30+$0x84B0]  }
0x63: {  	v22 =	vld [tilespmem:s30+$0x84C0]  }
0x64: {  	v23 =	vld [tilespmem:s30+$0x84D0]  }
0x65: {  	v24 =	vld [tilespmem:s30+$0x84E0]  }
0x66: {  	v25 =	vld [tilespmem:s30+$0x84F0]  }
0x67: {  	v26 =	vld [tilespmem:s30+$0x8880]  }
0x68: {  	v27 =	vld [tilespmem:s30+$0x8890]  }
0x69: {  	v28 =	vld [tilespmem:s30+$0x88A0]  }
0x6a: {  	v29 =	vld [tilespmem:s30+$0x88B0]  }
0x6b: {  	v30 =	vld [tilespmem:s30+$0x88C0]  }
0x6c: {  	v31 =	vld [tilespmem:s30+$0x88D0]  }
0x6d: {  	v32 =	vld [tilespmem:s30+$0x88E0]  }
0x6e: {  	v33 =	vld [tilespmem:s30+$0x88F0]  }
0x6f: {  	v34 =	vld [tilespmem:s30+$0x8C80]  }
0x70: {  	v9 =	vld [tilespmem:s30+$0x8C90]  }
0x71: {  	v8 =	vld [tilespmem:s30+$0x8CA0]  }
0x72: {  	v7 =	vld [tilespmem:s30+$0x8CB0]  }
0x73: {  	v6 =	vld [tilespmem:s30+$0x8CC0]  }
0x74: {  	v5 =	vld [tilespmem:s30+$0x8CD0]  }
0x75: {  	v4 =	vld [tilespmem:s30+$0x8CE0]  }
0x76: {  	v3 =	vld [tilespmem:s30+$0x8CF0]  }
0x77: {  	v35 =	vld [tilespmem:s30+$0x80]  }
0x78: {  	v36 =	vld [tilespmem:s30+$0x90]  }
0x79: {  	v37 =	vld [tilespmem:s30+$0xA0]  }
0x7a: {  	v38 =	vld [tilespmem:s30+$0xB0]  }
0x7b: {  	v39 =	vld [tilespmem:s30+$0xC0]  }
0x7c: {  	v60 =	vld [tilespmem:s30+$0xD0];
	v10 =	vadd.f32 v10, v35  }
0x7d: {  	v61 =	vld [tilespmem:s30+$0xE0];
	v11 =	vadd.f32 v11, v36  }
0x7e: {  	v62 =	vld [tilespmem:s30+$0xF0];
	v12 =	vadd.f32 v12, v37;
	v10 =	vmul.f32 $5.000000000e-01, v10  }
0x7f: {  	v63 =	vld [tilespmem:s30+$0x480];
	v13 =	vadd.f32 v13, v38;
	v11 =	vmul.f32 $5.000000000e-01, v11  }
0x80: {  	[tilespmem:s30+$0x80] =	vst v10;
	v10 =	vmul.f32 $5.000000000e-01, v12;
	v12 =	vadd.f32 v14, v39;
	v14 =	vld [tilespmem:s30+$0x490]  }
0x81: {  	[tilespmem:s30+$0x90] =	vst v11;
	v11 =	vmul.f32 $5.000000000e-01, v13;
	v13 =	vadd.f32 v15, v60;
	v15 =	vld [tilespmem:s30+$0x4A0]  }
0x82: {  	[tilespmem:s30+$0xA0] =	vst v10;
	v10 =	vmul.f32 $5.000000000e-01, v12;
	v12 =	vadd.f32 v16, v61;
	v16 =	vld [tilespmem:s30+$0x4B0]  }
0x83: {  	[tilespmem:s30+$0xB0] =	vst v11;
	v11 =	vmul.f32 $5.000000000e-01, v13;
	v13 =	vadd.f32 v17, v62;
	v17 =	vld [tilespmem:s30+$0x4C0]  }
0x84: {  	[tilespmem:s30+$0xC0] =	vst v10;
	v10 =	vmul.f32 $5.000000000e-01, v12;
	v12 =	vadd.f32 v18, v63;
	v18 =	vld [tilespmem:s30+$0x4D0]  }
0x85: {  	[tilespmem:s30+$0xD0] =	vst v11;
	v11 =	vmul.f32 $5.000000000e-01, v13;
	v13 =	vadd.f32 v19, v14;
	v14 =	vld [tilespmem:s30+$0x4E0]  }
0x86: {  	[tilespmem:s30+$0xE0] =	vst v10;
	v10 =	vmul.f32 $5.000000000e-01, v12;
	v12 =	vadd.f32 v20, v15;
	v15 =	vld [tilespmem:s30+$0x4F0]  }
0x87: {  	[tilespmem:s30+$0xF0] =	vst v11;
	v11 =	vmul.f32 $5.000000000e-01, v13;
	v13 =	vadd.f32 v21, v16;
	v16 =	vld [tilespmem:s30+$0x880]  }
0x88: {  	[tilespmem:s30+$0x480] =	vst v10;
	v10 =	vmul.f32 $5.000000000e-01, v12;
	v12 =	vadd.f32 v22, v17;
	v17 =	vld [tilespmem:s30+$0x890]  }
0x89: {  	[tilespmem:s30+$0x490] =	vst v11;
	v11 =	vmul.f32 $5.000000000e-01, v13;
	v13 =	vadd.f32 v23, v18;
	v18 =	vld [tilespmem:s30+$0x8A0]  }
0x8a: {  	[tilespmem:s30+$0x4A0] =	vst v10;
	v10 =	vmul.f32 $5.000000000e-01, v12;
	v12 =	vadd.f32 v24, v14;
	v14 =	vld [tilespmem:s30+$0x8B0]  }
0x8b: {  	[tilespmem:s30+$0x4B0] =	vst v11;
	v11 =	vmul.f32 $5.000000000e-01, v13;
	v13 =	vadd.f32 v25, v15;
	v15 =	vld [tilespmem:s30+$0x8C0]  }
0x8c: {  	[tilespmem:s30+$0x4C0] =	vst v10;
	v10 =	vmul.f32 $5.000000000e-01, v12;
	v12 =	vadd.f32 v26, v16;
	v16 =	vld [tilespmem:s30+$0x8D0]  }
0x8d: {  	[tilespmem:s30+$0x4D0] =	vst v11;
	v11 =	vmul.f32 $5.000000000e-01, v13;
	v13 =	vadd.f32 v27, v17;
	v17 =	vld [tilespmem:s30+$0x8E0]  }
0x8e: {  	[tilespmem:s30+$0x4E0] =	vst v10;
	v10 =	vmul.f32 $5.000000000e-01, v12;
	v12 =	vadd.f32 v28, v18;
	v18 =	vld [tilespmem:s30+$0x8F0]  }
0x8f: {  	v19 =	vld [tilespmem:s30+$0xC80];
	[tilespmem:s30+$0x4F0] =	vst v11;
	v11 =	vmul.f32 $5.000000000e-01, v13;
	v13 =	vadd.f32 v29, v14  }
0x90: {  	v14 =	vld [tilespmem:s30+$0xC90];
	[tilespmem:s30+$0x880] =	vst v10;
	v10 =	vmul.f32 $5.000000000e-01, v12;
	v12 =	vadd.f32 v30, v15  }
0x91: {  	[tilespmem:s30+$0x890] =	vst v11;
	v11 =	vmul.f32 $5.000000000e-01, v13;
	v15 =	vadd.f32 v31, v16;
	v13 =	vld [tilespmem:s30+$0xCA0]  }
0x92: {  	[tilespmem:s30+$0x8A0] =	vst v10;
	v10 =	vmul.f32 $5.000000000e-01, v12;
	v16 =	vadd.f32 v32, v17;
	v12 =	vld [tilespmem:s30+$0xCB0]  }
0x93: {  	[tilespmem:s30+$0x8B0] =	vst v11;
	v17 =	vmul.f32 $5.000000000e-01, v15;
	v11 =	vld [tilespmem:s30+$0xCC0];
	v18 =	vadd.f32 v33, v18  }
0x94: {  	s31 =	simm.s32 $0x80;
	s0 =	simm.s32 $0x200;
	[tilespmem:s30+$0x8C0] =	vst v10;
	v15 =	vmul.f32 $5.000000000e-01, v16;
	v16 =	vadd.f32 v34, v19;
	v10 =	vld [tilespmem:s30+$0xCD0]  }
.LBB2_2:
0x95: {  	s1 =	sand.u32 $0x7000, s0;
	s11 =	sand.u32 $0x380, s31;
	p0 =	sne.s32 s0, $0x7E00;
	[tilespmem:s30+$0x8D0] =	vst v17;
	v17 =	vmul.f32 $5.000000000e-01, v18;
	v9 =	vadd.f32 v9, v14;
	v14 =	vld [tilespmem:s30+$0xCE0]  }
0x96: {  	s1 =	sor.u32 s11, s1;
	[tilespmem:s30+$0x8E0] =	vst v15;
	v15 =	vmul.f32 $5.000000000e-01, v16;
	v8 =	vadd.f32 v8, v13;
	v13 =	vld [tilespmem:s30+$0xCF0]  }
0x97: {  	v16 =	vld [tilespmem:s1+$0x8080];
	[tilespmem:s30+$0x8F0] =	vst v17;
	v9 =	vmul.f32 $5.000000000e-01, v9;
	v7 =	vadd.f32 v7, v12  }
0x98: {  	v17 =	vld [tilespmem:s1+$0x8090];
	[tilespmem:s30+$0xC80] =	vst v15;
	v8 =	vmul.f32 $5.000000000e-01, v8;
	v6 =	vadd.f32 v6, v11  }
0x99: {  	v15 =	vld [tilespmem:s1+$0x80A0];
	[tilespmem:s30+$0xC90] =	vst v9;
	v7 =	vmul.f32 $5.000000000e-01, v7;
	v5 =	vadd.f32 v5, v10  }
0x9a: {  	v18 =	vld [tilespmem:s1+$0x80B0];
	[tilespmem:s30+$0xCA0] =	vst v8;
	v6 =	vmul.f32 $5.000000000e-01, v6;
	v4 =	vadd.f32 v4, v14  }
0x9b: {  	v19 =	vld [tilespmem:s1+$0x80C0];
	[tilespmem:s30+$0xCB0] =	vst v7;
	v5 =	vmul.f32 $5.000000000e-01, v5;
	v3 =	vadd.f32 v3, v13  }
0x9c: {  	v20 =	vld [tilespmem:s1+$0x80D0];
	[tilespmem:s30+$0xCC0] =	vst v6;
	v4 =	vmul.f32 $5.000000000e-01, v4  }
0x9d: {  	v21 =	vld [tilespmem:s1+$0x80E0];
	[tilespmem:s30+$0xCD0] =	vst v5;
	v3 =	vmul.f32 $5.000000000e-01, v3  }
0x9e: {  	v22 =	vld [tilespmem:s1+$0x80F0];
	[tilespmem:s30+$0xCE0] =	vst v4  }
0x9f: {  	v23 =	vld [tilespmem:s1+$0x8480];
	[tilespmem:s30+$0xCF0] =	vst v3;
	s30 =	smov.u32 s1  }
0xa0: {  	v24 =	vld [tilespmem:s30+$0x8490]  }
0xa1: {  	v25 =	vld [tilespmem:s30+$0x84A0]  }
0xa2: {  	v26 =	vld [tilespmem:s30+$0x84B0]  }
0xa3: {  	v27 =	vld [tilespmem:s30+$0x84C0]  }
0xa4: {  	v28 =	vld [tilespmem:s30+$0x84D0]  }
0xa5: {  	v29 =	vld [tilespmem:s30+$0x84E0]  }
0xa6: {  	v30 =	vld [tilespmem:s30+$0x84F0]  }
0xa7: {  	v31 =	vld [tilespmem:s30+$0x8880]  }
0xa8: {  	v32 =	vld [tilespmem:s30+$0x8890]  }
0xa9: {  	v33 =	vld [tilespmem:s30+$0x88A0]  }
0xaa: {  	v34 =	vld [tilespmem:s30+$0x88B0]  }
0xab: {  	v14 =	vld [tilespmem:s30+$0x88C0]  }
0xac: {  	v13 =	vld [tilespmem:s30+$0x88D0]  }
0xad: {  	v12 =	vld [tilespmem:s30+$0x88E0]  }
0xae: {  	v11 =	vld [tilespmem:s30+$0x88F0]  }
0xaf: {  	v10 =	vld [tilespmem:s30+$0x8C80]  }
0xb0: {  	v9 =	vld [tilespmem:s30+$0x8C90]  }
0xb1: {  	v8 =	vld [tilespmem:s30+$0x8CA0]  }
0xb2: {  	v7 =	vld [tilespmem:s30+$0x8CB0]  }
0xb3: {  	v6 =	vld [tilespmem:s30+$0x8CC0]  }
0xb4: {  	v5 =	vld [tilespmem:s30+$0x8CD0]  }
0xb5: {  	v4 =	vld [tilespmem:s30+$0x8CE0]  }
0xb6: {  	v3 =	vld [tilespmem:s30+$0x8CF0]  }
0xb7: {  	v35 =	vld [tilespmem:s30+$0x80]  }
0xb8: {  	v36 =	vld [tilespmem:s30+$0x90]  }
0xb9: {  	v37 =	vld [tilespmem:s30+$0xA0]  }
0xba: {  	v38 =	vld [tilespmem:s30+$0xB0]  }
0xbb: {  	v39 =	vld [tilespmem:s30+$0xC0]  }
0xbc: {  	v16 =	vadd.f32 v16, v35;
	v35 =	vld [tilespmem:s30+$0xD0]  }
0xbd: {  	v17 =	vadd.f32 v17, v36;
	v36 =	vld [tilespmem:s30+$0xE0]  }
0xbe: {  	v16 =	vmul.f32 $5.000000000e-01, v16;
	v15 =	vadd.f32 v15, v37;
	v37 =	vld [tilespmem:s30+$0xF0]  }
0xbf: {  	v17 =	vmul.f32 $5.000000000e-01, v17;
	v18 =	vadd.f32 v18, v38;
	v38 =	vld [tilespmem:s30+$0x480]  }
0xc0: {  	[tilespmem:s30+$0x80] =	vst v16;
	v15 =	vmul.f32 $5.000000000e-01, v15;
	v16 =	vadd.f32 v19, v39;
	v19 =	vld [tilespmem:s30+$0x490]  }
0xc1: {  	[tilespmem:s30+$0x90] =	vst v17;
	v17 =	vmul.f32 $5.000000000e-01, v18;
	v18 =	vadd.f32 v20, v35;
	v20 =	vld [tilespmem:s30+$0x4A0]  }
0xc2: {  	[tilespmem:s30+$0xA0] =	vst v15;
	v15 =	vmul.f32 $5.000000000e-01, v16;
	v16 =	vadd.f32 v21, v36;
	v21 =	vld [tilespmem:s30+$0x4B0]  }
0xc3: {  	[tilespmem:s30+$0xB0] =	vst v17;
	v17 =	vmul.f32 $5.000000000e-01, v18;
	v18 =	vadd.f32 v22, v37;
	v22 =	vld [tilespmem:s30+$0x4C0]  }
0xc4: {  	[tilespmem:s30+$0xC0] =	vst v15;
	v15 =	vmul.f32 $5.000000000e-01, v16;
	v16 =	vadd.f32 v23, v38;
	v23 =	vld [tilespmem:s30+$0x4D0]  }
0xc5: {  	[tilespmem:s30+$0xD0] =	vst v17;
	v17 =	vmul.f32 $5.000000000e-01, v18;
	v18 =	vadd.f32 v24, v19;
	v19 =	vld [tilespmem:s30+$0x4E0]  }
0xc6: {  	[tilespmem:s30+$0xE0] =	vst v15;
	v15 =	vmul.f32 $5.000000000e-01, v16;
	v16 =	vadd.f32 v25, v20;
	v20 =	vld [tilespmem:s30+$0x4F0]  }
0xc7: {  	[tilespmem:s30+$0xF0] =	vst v17;
	v17 =	vmul.f32 $5.000000000e-01, v18;
	v18 =	vadd.f32 v26, v21;
	v21 =	vld [tilespmem:s30+$0x880]  }
0xc8: {  	[tilespmem:s30+$0x480] =	vst v15;
	v15 =	vmul.f32 $5.000000000e-01, v16;
	v16 =	vadd.f32 v27, v22;
	v22 =	vld [tilespmem:s30+$0x890]  }
0xc9: {  	[tilespmem:s30+$0x490] =	vst v17;
	v17 =	vmul.f32 $5.000000000e-01, v18;
	v18 =	vadd.f32 v28, v23;
	v23 =	vld [tilespmem:s30+$0x8A0]  }
0xca: {  	[tilespmem:s30+$0x4A0] =	vst v15;
	v15 =	vmul.f32 $5.000000000e-01, v16;
	v16 =	vadd.f32 v29, v19;
	v19 =	vld [tilespmem:s30+$0x8B0]  }
0xcb: {  	[tilespmem:s30+$0x4B0] =	vst v17;
	v17 =	vmul.f32 $5.000000000e-01, v18;
	v18 =	vadd.f32 v30, v20;
	v20 =	vld [tilespmem:s30+$0x8C0]  }
0xcc: {  	[tilespmem:s30+$0x4C0] =	vst v15;
	v15 =	vmul.f32 $5.000000000e-01, v16;
	v16 =	vadd.f32 v31, v21;
	v21 =	vld [tilespmem:s30+$0x8D0]  }
0xcd: {  	[tilespmem:s30+$0x4D0] =	vst v17;
	v17 =	vmul.f32 $5.000000000e-01, v18;
	v18 =	vadd.f32 v32, v22;
	v22 =	vld [tilespmem:s30+$0x8E0]  }
0xce: {  	[tilespmem:s30+$0x4E0] =	vst v15;
	v15 =	vmul.f32 $5.000000000e-01, v16;
	v16 =	vadd.f32 v33, v23;
	v23 =	vld [tilespmem:s30+$0x8F0]  }
0xcf: {  	[tilespmem:s30+$0x4F0] =	vst v17;
	v17 =	vmul.f32 $5.000000000e-01, v18;
	v18 =	vadd.f32 v34, v19;
	v19 =	vld [tilespmem:s30+$0xC80]  }
.Ltmp0:
0xd0: {  	[tilespmem:s30+$0x880] =	vst v15;
	v15 =	vmul.f32 $5.000000000e-01, v16;
	v16 =	vadd.f32 v14, v20;
	v14 =	vld [tilespmem:s30+$0xC90];
	(pc) =	sbr.rel @p0 .LBB2_2-.Ltmp0, $4  }
0xd1: {  	[tilespmem:s30+$0x890] =	vst v17;
	v17 =	vmul.f32 $5.000000000e-01, v18;
	v18 =	vadd.f32 v13, v21;
	v13 =	vld [tilespmem:s30+$0xCA0]  }
0xd2: {  	[tilespmem:s30+$0x8A0] =	vst v15;
	v15 =	vmul.f32 $5.000000000e-01, v16;
	v16 =	vadd.f32 v12, v22;
	v12 =	vld [tilespmem:s30+$0xCB0]  }
0xd3: {  	[tilespmem:s30+$0x8B0] =	vst v17;
	v17 =	vmul.f32 $5.000000000e-01, v18;
	v18 =	vadd.f32 v11, v23;
	v11 =	vld [tilespmem:s30+$0xCC0]  }
0xd4: {  	s31 =	sadd.s32 $0x80, s31;
	s0 =	sadd.s32 $0x200, s0;
	[tilespmem:s30+$0x8C0] =	vst v15;
	v15 =	vmul.f32 $5.000000000e-01, v16;
	v16 =	vadd.f32 v10, v19;
	v10 =	vld [tilespmem:s30+$0xCD0]  }
0xd5: {  	[tilespmem:s30+$0x8D0] =	vst v17;
	v60 =	vmul.f32 $5.000000000e-01, v18;
	v9 =	vadd.f32 v9, v14;
	v61 =	vld [tilespmem:s30+$0xCE0]  }
0xd6: {  	v63 =	vld [tilespmem:s30+$0xCF0];
	[tilespmem:s30+$0x8E0] =	vst v15;
	v62 =	vmul.f32 $5.000000000e-01, v16;
	v8 =	vadd.f32 v8, v13  }
0xd7: {  	[tilespmem:s30+$0x8F0] =	vst v60;
	v9 =	vmul.f32 $5.000000000e-01, v9;
	v7 =	vadd.f32 v7, v12  }
0xd8: {  	[tilespmem:s30+$0xC80] =	vst v62;
	v8 =	vmul.f32 $5.000000000e-01, v8;
	v6 =	vadd.f32 v6, v11  }
0xd9: {  	[tilespmem:s30+$0xC90] =	vst v9;
	v7 =	vmul.f32 $5.000000000e-01, v7;
	v5 =	vadd.f32 v5, v10  }
0xda: {  	[tilespmem:s30+$0xCA0] =	vst v8;
	v6 =	vmul.f32 $5.000000000e-01, v6;
	v4 =	vadd.f32 v4, v61  }
0xdb: {  	v3 =	vadd.f32 v3, v63;
	[tilespmem:s30+$0xCB0] =	vst v7;
	v5 =	vmul.f32 $5.000000000e-01, v5  }
0xdc: {  	[tilespmem:s30+$0xCC0] =	vst v6;
	v4 =	vmul.f32 $5.000000000e-01, v4  }
0xdd: {  	s29 =	sadd.s32 $0x1, s29;
	v3 =	vmul.f32 $5.000000000e-01, v3;
	[tilespmem:s30+$0xCD0] =	vst v5  }
0xde: {  	p0 =	sne.s32 s29, s8;
	[tilespmem:s30+$0xCE0] =	vst v4  }
.Ltmp1:
0xdf: {  	[tilespmem:s30+$0xCF0] =	vst v3;
	(pc) =	sbr.rel @p0 .LBB2_1-.Ltmp1, $4  }
0xe0: {  	[hbm4b:s7+s2] =	stream.linear.scatter [tilespmem:s10], [sflag:$0x2], $0x8000, $0x38;
	[tilespmem:$0x10080] =	vst v63  }
0xe1: {  	_ =	swait.ge [sflag:s9], $0x8000  }
0xe2: {  	[sflag:s9] =	ssyncset.done $0x0  }
0xe3: {  	[sflag:s9] =	ssyncadd.s32 $0xFFFF8000  }
0xe4: {  	_ =	sfence.sel $0x180000  }
0xe5: {  	[bflag:$0x0] =	sbarrier.arrive $0xFFFF  }
0xe6: {  	_ =	strace $0x90000047  }
0xe7: {  	s0 =	stileid.u32;
	[bflag:$0x2] =	sbarrier.arrive $0xFFFF  }
0xe8: {  	p0 =	sne.s32 s0, $0x0;
	s0 =	rddreg [dreg:$0x1]  }
0xe9: {  	s0 =	sadd.s32 @!p0 $0x100000, s0  }
0xea: {  	[sflag:s0] =	ssyncadd.tile.s32 @!p0 $0x1;
	_ =	shalt  }
.Lfunc_end2:
_tile_overlayer_lowered:
.L_overlay_start_2:
0xeb: {  	(tag) =	ssettag $0x2  }
0xec: {  	s0 =	rddreg [dreg:$0x0];
	s2 =	stileid.u32  }
0xed: {  	s1 =	rddreg [dreg:$0x1];
	p0 =	sne.s32 s2, $0x0  }
0xee: {  	s3 =	rddreg [dreg:$0x2];
	[bflag:$0x3] =	sbarrier.arrive $0xFFFF;
	s2 =	simm.s32 @!p0 $0x1C02  }
0xef: {  	[timem:s3], [sflag:s2] =	dma.local @!p0 [hbm:s0], s1  }
0xf0: {  	s0 =	simm.s32 @!p0 $0x2  }
0xf1: {  	_ =	swait.ge @!p0 [sflag:s0], s1  }
0xf2: {  	s1 =	ssub.s32 @!p0 $0x0, s1;
	[sflag:s0] =	ssyncset.done @!p0 $0x0  }
0xf3: {  	[sflag:s0] =	ssyncadd.s32 @!p0 s1  }
0xf4: {  	[bflag:$0x3] =	sbarrier.arrive $0xFFFF  }
0xf5: {  	_ =	shalt  }

</sc_bundles>
